<compile_context>
chip_gen: v7x
topology: tpu7x:2x2x1
jax: 0.10.2.dev20260603
libtpu: 0.0.44.dev20260713+nightly
codegen_flags: <defaults>
</compile_context>

<pallas_src>
import functools

import jax
import jax.numpy as jnp
from jax import lax
from jax.experimental import pallas as pl
from jax.experimental.pallas import tpu as pltpu
from jax.experimental.pallas import tpu_sc as plsc

_NUM_CORES = 2
_NUM_SUBCORES = 16
_REP = 8


def kernel(inputs, pos_embeddings):
    batch, seq, dims = inputs.shape
    row = seq * dims
    pos = pos_embeddings[:seq, :].reshape(row)

    nw = _NUM_CORES * _NUM_SUBCORES
    b_per_w = batch // nw
    rep = _REP
    while b_per_w % rep:
        rep //= 2
    n_dma = b_per_w // rep

    mesh = plsc.VectorSubcoreMesh(
        core_axis_name="c",
        subcore_axis_name="s",
        num_cores=_NUM_CORES,
        num_subcores=_NUM_SUBCORES,
    )

    @functools.partial(
        pl.kernel,
        out_type=jax.ShapeDtypeStruct((batch * row,), jnp.float32),
        mesh=mesh,
        scratch_types=[
            pltpu.VMEM((rep * row,), jnp.float32),
            pltpu.SemaphoreType.DMA,
        ],
    )
    def run(pos_hbm, out_hbm, buf, sem_in):
        wid = lax.axis_index("s") * _NUM_CORES + lax.axis_index("c")
        base = wid * (b_per_w * row)
        fills = [
            pltpu.async_copy(pos_hbm, buf.at[pl.ds(r * row, row)], sem_in)
            for r in range(rep)
        ]
        for cp in fills:
            cp.wait()
        for j in range(n_dma):
            shifted = lax.rem(j + wid, n_dma)
            pltpu.sync_copy(
                buf, out_hbm.at[pl.ds(base + shifted * (rep * row), rep * row)]
            )

    return run(pos).reshape(batch, seq, dims)

# --- scband reference (transcript-rebuilt; emitter-appended) ---
"""Pipeline reference for scband-position-encoding-layer-59485297050169 (READ-ONLY COPY).

The authoritative reference and input builder live on the scoring server;
editing this copy changes nothing except your own understanding.
"""

import jax, jax.numpy as jnp
import numpy as np

MAX_LEN = 512
DIMS = 64
BATCH = 4096
SEQ = 200

def setup_inputs(seed: int = 0) -> dict:
    key = jax.random.key(seed)
    k1, k2 = jax.random.split(key)
    inputs = jax.random.normal(k1, (BATCH, SEQ, DIMS), dtype=jnp.float32)
    # glorot_uniform for shape (max_len, dims)
    limit = np.sqrt(6.0 / (MAX_LEN + DIMS)).astype(np.float32)
    pos_embeddings = jax.random.uniform(k2, (MAX_LEN, DIMS), minval=-limit, maxval=limit, dtype=jnp.float32)
    return {"inputs": inputs, "pos_embeddings": pos_embeddings}

def reference(inputs, pos_embeddings):
    batch_size = inputs.shape[0]
    seq_len = inputs.shape[1]
    position_enc = pos_embeddings[:seq_len, :]
    position_enc = jnp.expand_dims(position_enc, axis=0)
    position_enc = jnp.tile(position_enc, (batch_size, 1, 1))
    return position_enc

if __name__ == "__main__":
    import jax
    _d = setup_inputs()
    print(jax.jit(kernel)(*tuple(_d.values())))

</pallas_src>

<mosaic_0001>
#map = affine_map<(d0, d1) -> (0)>
module attributes {stable_mosaic.version = 14 : i64} {
  func.func @run(%arg0: i32, %arg1: i32, %arg2: memref<12800xf32, #tpu.memory_space<hbm>>, %arg3: memref<52428800xf32, #tpu.memory_space<hbm>>, %arg4: memref<102400xf32, #tpu.memory_space<vmem>>, %arg5: memref<!tpu.dma_semaphore, #tpu.memory_space<semaphore_mem>>) attributes {dimension_semantics = [#tpu.dimension_semantics<core_parallel>, #tpu.dimension_semantics<subcore_parallel>], iteration_bounds = array<i64: 2, 16>, scalar_prefetch = 0 : i64, scratch_operands = 2 : i64, tpu.core_type = #tpu.core_type<sc_vector_subcore>, window_params = [{transform_indices = #map}, {transform_indices = #map}]} {
    %mul3A = arith.constant 2 : i32
    %mul3A_0 = arith.muli %arg1, %mul3A : i32
    %add3A = arith.addi %mul3A_0, %arg0 : i32
    %mul3A_1 = arith.constant 1638400 : i32
    %mul3A_2 = arith.muli %add3A, %mul3A_1 : i32
    %dma_start3A = arith.constant 0 : i32
    %dma_start3A_3 = tpu.memref_slice %arg4[%dma_start3A] : memref<102400xf32, #tpu.memory_space<vmem>> -> memref<12800xf32, #tpu.memory_space<vmem>>
    %dma_start3A_4 = arith.constant 0 : i32
    %dma_start3A_5 = tpu.memref_slice %arg4[%dma_start3A_4] : memref<102400xf32, #tpu.memory_space<vmem>> -> memref<12800xf32, #tpu.memory_space<vmem>>
    tpu.enqueue_dma source(%arg2 : memref<12800xf32, #tpu.memory_space<hbm>>) target(%dma_start3A_5 : memref<12800xf32, #tpu.memory_space<vmem>>) target_semaphore(%arg5 : memref<!tpu.dma_semaphore, #tpu.memory_space<semaphore_mem>>)
    %dma_start3A_6 = arith.constant 12800 : i32
    %dma_start3A_7 = tpu.memref_slice %arg4[%dma_start3A_6] : memref<102400xf32, #tpu.memory_space<vmem>> -> memref<12800xf32, #tpu.memory_space<vmem>>
    %dma_start3A_8 = arith.constant 12800 : i32
    %dma_start3A_9 = tpu.memref_slice %arg4[%dma_start3A_8] : memref<102400xf32, #tpu.memory_space<vmem>> -> memref<12800xf32, #tpu.memory_space<vmem>>
    tpu.enqueue_dma source(%arg2 : memref<12800xf32, #tpu.memory_space<hbm>>) target(%dma_start3A_9 : memref<12800xf32, #tpu.memory_space<vmem>>) target_semaphore(%arg5 : memref<!tpu.dma_semaphore, #tpu.memory_space<semaphore_mem>>)
    %dma_start3A_10 = arith.constant 25600 : i32
    %dma_start3A_11 = tpu.memref_slice %arg4[%dma_start3A_10] : memref<102400xf32, #tpu.memory_space<vmem>> -> memref<12800xf32, #tpu.memory_space<vmem>>
    %dma_start3A_12 = arith.constant 25600 : i32
    %dma_start3A_13 = tpu.memref_slice %arg4[%dma_start3A_12] : memref<102400xf32, #tpu.memory_space<vmem>> -> memref<12800xf32, #tpu.memory_space<vmem>>
    tpu.enqueue_dma source(%arg2 : memref<12800xf32, #tpu.memory_space<hbm>>) target(%dma_start3A_13 : memref<12800xf32, #tpu.memory_space<vmem>>) target_semaphore(%arg5 : memref<!tpu.dma_semaphore, #tpu.memory_space<semaphore_mem>>)
    %dma_start3A_14 = arith.constant 38400 : i32
    %dma_start3A_15 = tpu.memref_slice %arg4[%dma_start3A_14] : memref<102400xf32, #tpu.memory_space<vmem>> -> memref<12800xf32, #tpu.memory_space<vmem>>
    %dma_start3A_16 = arith.constant 38400 : i32
    %dma_start3A_17 = tpu.memref_slice %arg4[%dma_start3A_16] : memref<102400xf32, #tpu.memory_space<vmem>> -> memref<12800xf32, #tpu.memory_space<vmem>>
    tpu.enqueue_dma source(%arg2 : memref<12800xf32, #tpu.memory_space<hbm>>) target(%dma_start3A_17 : memref<12800xf32, #tpu.memory_space<vmem>>) target_semaphore(%arg5 : memref<!tpu.dma_semaphore, #tpu.memory_space<semaphore_mem>>)
    %dma_start3A_18 = arith.constant 51200 : i32
    %dma_start3A_19 = tpu.memref_slice %arg4[%dma_start3A_18] : memref<102400xf32, #tpu.memory_space<vmem>> -> memref<12800xf32, #tpu.memory_space<vmem>>
    %dma_start3A_20 = arith.constant 51200 : i32
    %dma_start3A_21 = tpu.memref_slice %arg4[%dma_start3A_20] : memref<102400xf32, #tpu.memory_space<vmem>> -> memref<12800xf32, #tpu.memory_space<vmem>>
    tpu.enqueue_dma source(%arg2 : memref<12800xf32, #tpu.memory_space<hbm>>) target(%dma_start3A_21 : memref<12800xf32, #tpu.memory_space<vmem>>) target_semaphore(%arg5 : memref<!tpu.dma_semaphore, #tpu.memory_space<semaphore_mem>>)
    %dma_start3A_22 = arith.constant 64000 : i32
    %dma_start3A_23 = tpu.memref_slice %arg4[%dma_start3A_22] : memref<102400xf32, #tpu.memory_space<vmem>> -> memref<12800xf32, #tpu.memory_space<vmem>>
    %dma_start3A_24 = arith.constant 64000 : i32
    %dma_start3A_25 = tpu.memref_slice %arg4[%dma_start3A_24] : memref<102400xf32, #tpu.memory_space<vmem>> -> memref<12800xf32, #tpu.memory_space<vmem>>
    tpu.enqueue_dma source(%arg2 : memref<12800xf32, #tpu.memory_space<hbm>>) target(%dma_start3A_25 : memref<12800xf32, #tpu.memory_space<vmem>>) target_semaphore(%arg5 : memref<!tpu.dma_semaphore, #tpu.memory_space<semaphore_mem>>)
    %dma_start3A_26 = arith.constant 76800 : i32
    %dma_start3A_27 = tpu.memref_slice %arg4[%dma_start3A_26] : memref<102400xf32, #tpu.memory_space<vmem>> -> memref<12800xf32, #tpu.memory_space<vmem>>
    %dma_start3A_28 = arith.constant 76800 : i32
    %dma_start3A_29 = tpu.memref_slice %arg4[%dma_start3A_28] : memref<102400xf32, #tpu.memory_space<vmem>> -> memref<12800xf32, #tpu.memory_space<vmem>>
    tpu.enqueue_dma source(%arg2 : memref<12800xf32, #tpu.memory_space<hbm>>) target(%dma_start3A_29 : memref<12800xf32, #tpu.memory_space<vmem>>) target_semaphore(%arg5 : memref<!tpu.dma_semaphore, #tpu.memory_space<semaphore_mem>>)
    %dma_start3A_30 = arith.constant 89600 : i32
    %dma_start3A_31 = tpu.memref_slice %arg4[%dma_start3A_30] : memref<102400xf32, #tpu.memory_space<vmem>> -> memref<12800xf32, #tpu.memory_space<vmem>>
    %dma_start3A_32 = arith.constant 89600 : i32
    %dma_start3A_33 = tpu.memref_slice %arg4[%dma_start3A_32] : memref<102400xf32, #tpu.memory_space<vmem>> -> memref<12800xf32, #tpu.memory_space<vmem>>
    tpu.enqueue_dma source(%arg2 : memref<12800xf32, #tpu.memory_space<hbm>>) target(%dma_start3A_33 : memref<12800xf32, #tpu.memory_space<vmem>>) target_semaphore(%arg5 : memref<!tpu.dma_semaphore, #tpu.memory_space<semaphore_mem>>)
    %dma_wait3A = arith.constant 0 : i32
    %dma_wait3A_34 = tpu.memref_slice %arg4[%dma_wait3A] : memref<102400xf32, #tpu.memory_space<vmem>> -> memref<12800xf32, #tpu.memory_space<vmem>>
    %dma_wait3A_35 = arith.constant 0 : i32
    %dma_wait3A_36 = tpu.memref_slice %arg4[%dma_wait3A_35] : memref<102400xf32, #tpu.memory_space<vmem>> -> memref<12800xf32, #tpu.memory_space<vmem>>
    tpu.wait_dma2 semaphore(%arg5 : memref<!tpu.dma_semaphore, #tpu.memory_space<semaphore_mem>>) src(%arg2 : memref<12800xf32, #tpu.memory_space<hbm>>) dst(%dma_wait3A_36 : memref<12800xf32, #tpu.memory_space<vmem>>)
    %dma_wait3A_37 = arith.constant 12800 : i32
    %dma_wait3A_38 = tpu.memref_slice %arg4[%dma_wait3A_37] : memref<102400xf32, #tpu.memory_space<vmem>> -> memref<12800xf32, #tpu.memory_space<vmem>>
    %dma_wait3A_39 = arith.constant 12800 : i32
    %dma_wait3A_40 = tpu.memref_slice %arg4[%dma_wait3A_39] : memref<102400xf32, #tpu.memory_space<vmem>> -> memref<12800xf32, #tpu.memory_space<vmem>>
    tpu.wait_dma2 semaphore(%arg5 : memref<!tpu.dma_semaphore, #tpu.memory_space<semaphore_mem>>) src(%arg2 : memref<12800xf32, #tpu.memory_space<hbm>>) dst(%dma_wait3A_40 : memref<12800xf32, #tpu.memory_space<vmem>>)
    %dma_wait3A_41 = arith.constant 25600 : i32
    %dma_wait3A_42 = tpu.memref_slice %arg4[%dma_wait3A_41] : memref<102400xf32, #tpu.memory_space<vmem>> -> memref<12800xf32, #tpu.memory_space<vmem>>
    %dma_wait3A_43 = arith.constant 25600 : i32
    %dma_wait3A_44 = tpu.memref_slice %arg4[%dma_wait3A_43] : memref<102400xf32, #tpu.memory_space<vmem>> -> memref<12800xf32, #tpu.memory_space<vmem>>
    tpu.wait_dma2 semaphore(%arg5 : memref<!tpu.dma_semaphore, #tpu.memory_space<semaphore_mem>>) src(%arg2 : memref<12800xf32, #tpu.memory_space<hbm>>) dst(%dma_wait3A_44 : memref<12800xf32, #tpu.memory_space<vmem>>)
    %dma_wait3A_45 = arith.constant 38400 : i32
    %dma_wait3A_46 = tpu.memref_slice %arg4[%dma_wait3A_45] : memref<102400xf32, #tpu.memory_space<vmem>> -> memref<12800xf32, #tpu.memory_space<vmem>>
    %dma_wait3A_47 = arith.constant 38400 : i32
    %dma_wait3A_48 = tpu.memref_slice %arg4[%dma_wait3A_47] : memref<102400xf32, #tpu.memory_space<vmem>> -> memref<12800xf32, #tpu.memory_space<vmem>>
    tpu.wait_dma2 semaphore(%arg5 : memref<!tpu.dma_semaphore, #tpu.memory_space<semaphore_mem>>) src(%arg2 : memref<12800xf32, #tpu.memory_space<hbm>>) dst(%dma_wait3A_48 : memref<12800xf32, #tpu.memory_space<vmem>>)
    %dma_wait3A_49 = arith.constant 51200 : i32
    %dma_wait3A_50 = tpu.memref_slice %arg4[%dma_wait3A_49] : memref<102400xf32, #tpu.memory_space<vmem>> -> memref<12800xf32, #tpu.memory_space<vmem>>
    %dma_wait3A_51 = arith.constant 51200 : i32
    %dma_wait3A_52 = tpu.memref_slice %arg4[%dma_wait3A_51] : memref<102400xf32, #tpu.memory_space<vmem>> -> memref<12800xf32, #tpu.memory_space<vmem>>
    tpu.wait_dma2 semaphore(%arg5 : memref<!tpu.dma_semaphore, #tpu.memory_space<semaphore_mem>>) src(%arg2 : memref<12800xf32, #tpu.memory_space<hbm>>) dst(%dma_wait3A_52 : memref<12800xf32, #tpu.memory_space<vmem>>)
    %dma_wait3A_53 = arith.constant 64000 : i32
    %dma_wait3A_54 = tpu.memref_slice %arg4[%dma_wait3A_53] : memref<102400xf32, #tpu.memory_space<vmem>> -> memref<12800xf32, #tpu.memory_space<vmem>>
    %dma_wait3A_55 = arith.constant 64000 : i32
    %dma_wait3A_56 = tpu.memref_slice %arg4[%dma_wait3A_55] : memref<102400xf32, #tpu.memory_space<vmem>> -> memref<12800xf32, #tpu.memory_space<vmem>>
    tpu.wait_dma2 semaphore(%arg5 : memref<!tpu.dma_semaphore, #tpu.memory_space<semaphore_mem>>) src(%arg2 : memref<12800xf32, #tpu.memory_space<hbm>>) dst(%dma_wait3A_56 : memref<12800xf32, #tpu.memory_space<vmem>>)
    %dma_wait3A_57 = arith.constant 76800 : i32
    %dma_wait3A_58 = tpu.memref_slice %arg4[%dma_wait3A_57] : memref<102400xf32, #tpu.memory_space<vmem>> -> memref<12800xf32, #tpu.memory_space<vmem>>
    %dma_wait3A_59 = arith.constant 76800 : i32
    %dma_wait3A_60 = tpu.memref_slice %arg4[%dma_wait3A_59] : memref<102400xf32, #tpu.memory_space<vmem>> -> memref<12800xf32, #tpu.memory_space<vmem>>
    tpu.wait_dma2 semaphore(%arg5 : memref<!tpu.dma_semaphore, #tpu.memory_space<semaphore_mem>>) src(%arg2 : memref<12800xf32, #tpu.memory_space<hbm>>) dst(%dma_wait3A_60 : memref<12800xf32, #tpu.memory_space<vmem>>)
    %dma_wait3A_61 = arith.constant 89600 : i32
    %dma_wait3A_62 = tpu.memref_slice %arg4[%dma_wait3A_61] : memref<102400xf32, #tpu.memory_space<vmem>> -> memref<12800xf32, #tpu.memory_space<vmem>>
    %dma_wait3A_63 = arith.constant 89600 : i32
    %dma_wait3A_64 = tpu.memref_slice %arg4[%dma_wait3A_63] : memref<102400xf32, #tpu.memory_space<vmem>> -> memref<12800xf32, #tpu.memory_space<vmem>>
    tpu.wait_dma2 semaphore(%arg5 : memref<!tpu.dma_semaphore, #tpu.memory_space<semaphore_mem>>) src(%arg2 : memref<12800xf32, #tpu.memory_space<hbm>>) dst(%dma_wait3A_64 : memref<12800xf32, #tpu.memory_space<vmem>>)
    %add3A_65 = arith.constant 0 : i32
    %add3A_66 = arith.addi %add3A_65, %add3A : i32
    %rem3A = arith.constant 16 : i32
    %rem3A_67 = arith.remsi %add3A_66, %rem3A : i32
    %mul3A_68 = arith.constant 102400 : i32
    %mul3A_69 = arith.muli %rem3A_67, %mul3A_68 : i32
    %add3A_70 = arith.addi %mul3A_2, %mul3A_69 : i32
    "tpu.region"() ({
      %run_scoped3A = tpu.sem_alloc : memref<!tpu.dma_semaphore, #tpu.memory_space<semaphore_mem>>
      %dma_start3A_176 = tpu.memref_slice %arg3[%add3A_70] : memref<52428800xf32, #tpu.memory_space<hbm>> -> memref<102400xf32, #tpu.memory_space<hbm>>
      %dma_start3A_177 = tpu.memref_slice %arg3[%add3A_70] : memref<52428800xf32, #tpu.memory_space<hbm>> -> memref<102400xf32, #tpu.memory_space<hbm>>
      tpu.enqueue_dma source(%arg4 : memref<102400xf32, #tpu.memory_space<vmem>>) target(%dma_start3A_177 : memref<102400xf32, #tpu.memory_space<hbm>>) target_semaphore(%run_scoped3A : memref<!tpu.dma_semaphore, #tpu.memory_space<semaphore_mem>>)
      %dma_wait3A_178 = tpu.memref_slice %arg3[%add3A_70] : memref<52428800xf32, #tpu.memory_space<hbm>> -> memref<102400xf32, #tpu.memory_space<hbm>>
      %dma_wait3A_179 = tpu.memref_slice %arg3[%add3A_70] : memref<52428800xf32, #tpu.memory_space<hbm>> -> memref<102400xf32, #tpu.memory_space<hbm>>
      tpu.wait_dma2 semaphore(%run_scoped3A : memref<!tpu.dma_semaphore, #tpu.memory_space<semaphore_mem>>) src(%arg4 : memref<102400xf32, #tpu.memory_space<vmem>>) dst(%dma_wait3A_179 : memref<102400xf32, #tpu.memory_space<hbm>>)
      tpu.yield
    }) : () -> ()
    %add3A_71 = arith.constant 1 : i32
    %add3A_72 = arith.addi %add3A_71, %add3A : i32
    %rem3A_73 = arith.constant 16 : i32
    %rem3A_74 = arith.remsi %add3A_72, %rem3A_73 : i32
    %mul3A_75 = arith.constant 102400 : i32
    %mul3A_76 = arith.muli %rem3A_74, %mul3A_75 : i32
    %add3A_77 = arith.addi %mul3A_2, %mul3A_76 : i32
    "tpu.region"() ({
      %run_scoped3A = tpu.sem_alloc : memref<!tpu.dma_semaphore, #tpu.memory_space<semaphore_mem>>
      %dma_start3A_176 = tpu.memref_slice %arg3[%add3A_77] : memref<52428800xf32, #tpu.memory_space<hbm>> -> memref<102400xf32, #tpu.memory_space<hbm>>
      %dma_start3A_177 = tpu.memref_slice %arg3[%add3A_77] : memref<52428800xf32, #tpu.memory_space<hbm>> -> memref<102400xf32, #tpu.memory_space<hbm>>
      tpu.enqueue_dma source(%arg4 : memref<102400xf32, #tpu.memory_space<vmem>>) target(%dma_start3A_177 : memref<102400xf32, #tpu.memory_space<hbm>>) target_semaphore(%run_scoped3A : memref<!tpu.dma_semaphore, #tpu.memory_space<semaphore_mem>>)
      %dma_wait3A_178 = tpu.memref_slice %arg3[%add3A_77] : memref<52428800xf32, #tpu.memory_space<hbm>> -> memref<102400xf32, #tpu.memory_space<hbm>>
      %dma_wait3A_179 = tpu.memref_slice %arg3[%add3A_77] : memref<52428800xf32, #tpu.memory_space<hbm>> -> memref<102400xf32, #tpu.memory_space<hbm>>
      tpu.wait_dma2 semaphore(%run_scoped3A : memref<!tpu.dma_semaphore, #tpu.memory_space<semaphore_mem>>) src(%arg4 : memref<102400xf32, #tpu.memory_space<vmem>>) dst(%dma_wait3A_179 : memref<102400xf32, #tpu.memory_space<hbm>>)
      tpu.yield
    }) : () -> ()
    %add3A_78 = arith.constant 2 : i32
    %add3A_79 = arith.addi %add3A_78, %add3A : i32
    %rem3A_80 = arith.constant 16 : i32
    %rem3A_81 = arith.remsi %add3A_79, %rem3A_80 : i32
    %mul3A_82 = arith.constant 102400 : i32
    %mul3A_83 = arith.muli %rem3A_81, %mul3A_82 : i32
    %add3A_84 = arith.addi %mul3A_2, %mul3A_83 : i32
    "tpu.region"() ({
      %run_scoped3A = tpu.sem_alloc : memref<!tpu.dma_semaphore, #tpu.memory_space<semaphore_mem>>
      %dma_start3A_176 = tpu.memref_slice %arg3[%add3A_84] : memref<52428800xf32, #tpu.memory_space<hbm>> -> memref<102400xf32, #tpu.memory_space<hbm>>
      %dma_start3A_177 = tpu.memref_slice %arg3[%add3A_84] : memref<52428800xf32, #tpu.memory_space<hbm>> -> memref<102400xf32, #tpu.memory_space<hbm>>
      tpu.enqueue_dma source(%arg4 : memref<102400xf32, #tpu.memory_space<vmem>>) target(%dma_start3A_177 : memref<102400xf32, #tpu.memory_space<hbm>>) target_semaphore(%run_scoped3A : memref<!tpu.dma_semaphore, #tpu.memory_space<semaphore_mem>>)
      %dma_wait3A_178 = tpu.memref_slice %arg3[%add3A_84] : memref<52428800xf32, #tpu.memory_space<hbm>> -> memref<102400xf32, #tpu.memory_space<hbm>>
      %dma_wait3A_179 = tpu.memref_slice %arg3[%add3A_84] : memref<52428800xf32, #tpu.memory_space<hbm>> -> memref<102400xf32, #tpu.memory_space<hbm>>
      tpu.wait_dma2 semaphore(%run_scoped3A : memref<!tpu.dma_semaphore, #tpu.memory_space<semaphore_mem>>) src(%arg4 : memref<102400xf32, #tpu.memory_space<vmem>>) dst(%dma_wait3A_179 : memref<102400xf32, #tpu.memory_space<hbm>>)
      tpu.yield
    }) : () -> ()
    %add3A_85 = arith.constant 3 : i32
    %add3A_86 = arith.addi %add3A_85, %add3A : i32
    %rem3A_87 = arith.constant 16 : i32
    %rem3A_88 = arith.remsi %add3A_86, %rem3A_87 : i32
    %mul3A_89 = arith.constant 102400 : i32
    %mul3A_90 = arith.muli %rem3A_88, %mul3A_89 : i32
    %add3A_91 = arith.addi %mul3A_2, %mul3A_90 : i32
    "tpu.region"() ({
      %run_scoped3A = tpu.sem_alloc : memref<!tpu.dma_semaphore, #tpu.memory_space<semaphore_mem>>
      %dma_start3A_176 = tpu.memref_slice %arg3[%add3A_91] : memref<52428800xf32, #tpu.memory_space<hbm>> -> memref<102400xf32, #tpu.memory_space<hbm>>
      %dma_start3A_177 = tpu.memref_slice %arg3[%add3A_91] : memref<52428800xf32, #tpu.memory_space<hbm>> -> memref<102400xf32, #tpu.memory_space<hbm>>
      tpu.enqueue_dma source(%arg4 : memref<102400xf32, #tpu.memory_space<vmem>>) target(%dma_start3A_177 : memref<102400xf32, #tpu.memory_space<hbm>>) target_semaphore(%run_scoped3A : memref<!tpu.dma_semaphore, #tpu.memory_space<semaphore_mem>>)
      %dma_wait3A_178 = tpu.memref_slice %arg3[%add3A_91] : memref<52428800xf32, #tpu.memory_space<hbm>> -> memref<102400xf32, #tpu.memory_space<hbm>>
      %dma_wait3A_179 = tpu.memref_slice %arg3[%add3A_91] : memref<52428800xf32, #tpu.memory_space<hbm>> -> memref<102400xf32, #tpu.memory_space<hbm>>
      tpu.wait_dma2 semaphore(%run_scoped3A : memref<!tpu.dma_semaphore, #tpu.memory_space<semaphore_mem>>) src(%arg4 : memref<102400xf32, #tpu.memory_space<vmem>>) dst(%dma_wait3A_179 : memref<102400xf32, #tpu.memory_space<hbm>>)
      tpu.yield
    }) : () -> ()
    %add3A_92 = arith.constant 4 : i32
    %add3A_93 = arith.addi %add3A_92, %add3A : i32
    %rem3A_94 = arith.constant 16 : i32
    %rem3A_95 = arith.remsi %add3A_93, %rem3A_94 : i32
    %mul3A_96 = arith.constant 102400 : i32
    %mul3A_97 = arith.muli %rem3A_95, %mul3A_96 : i32
    %add3A_98 = arith.addi %mul3A_2, %mul3A_97 : i32
    "tpu.region"() ({
      %run_scoped3A = tpu.sem_alloc : memref<!tpu.dma_semaphore, #tpu.memory_space<semaphore_mem>>
      %dma_start3A_176 = tpu.memref_slice %arg3[%add3A_98] : memref<52428800xf32, #tpu.memory_space<hbm>> -> memref<102400xf32, #tpu.memory_space<hbm>>
      %dma_start3A_177 = tpu.memref_slice %arg3[%add3A_98] : memref<52428800xf32, #tpu.memory_space<hbm>> -> memref<102400xf32, #tpu.memory_space<hbm>>
      tpu.enqueue_dma source(%arg4 : memref<102400xf32, #tpu.memory_space<vmem>>) target(%dma_start3A_177 : memref<102400xf32, #tpu.memory_space<hbm>>) target_semaphore(%run_scoped3A : memref<!tpu.dma_semaphore, #tpu.memory_space<semaphore_mem>>)
      %dma_wait3A_178 = tpu.memref_slice %arg3[%add3A_98] : memref<52428800xf32, #tpu.memory_space<hbm>> -> memref<102400xf32, #tpu.memory_space<hbm>>
      %dma_wait3A_179 = tpu.memref_slice %arg3[%add3A_98] : memref<52428800xf32, #tpu.memory_space<hbm>> -> memref<102400xf32, #tpu.memory_space<hbm>>
      tpu.wait_dma2 semaphore(%run_scoped3A : memref<!tpu.dma_semaphore, #tpu.memory_space<semaphore_mem>>) src(%arg4 : memref<102400xf32, #tpu.memory_space<vmem>>) dst(%dma_wait3A_179 : memref<102400xf32, #tpu.memory_space<hbm>>)
      tpu.yield
    }) : () -> ()
    %add3A_99 = arith.constant 5 : i32
    %add3A_100 = arith.addi %add3A_99, %add3A : i32
    %rem3A_101 = arith.constant 16 : i32
    %rem3A_102 = arith.remsi %add3A_100, %rem3A_101 : i32
    %mul3A_103 = arith.constant 102400 : i32
    %mul3A_104 = arith.muli %rem3A_102, %mul3A_103 : i32
    %add3A_105 = arith.addi %mul3A_2, %mul3A_104 : i32
    "tpu.region"() ({
      %run_scoped3A = tpu.sem_alloc : memref<!tpu.dma_semaphore, #tpu.memory_space<semaphore_mem>>
      %dma_start3A_176 = tpu.memref_slice %arg3[%add3A_105] : memref<52428800xf32, #tpu.memory_space<hbm>> -> memref<102400xf32, #tpu.memory_space<hbm>>
      %dma_start3A_177 = tpu.memref_slice %arg3[%add3A_105] : memref<52428800xf32, #tpu.memory_space<hbm>> -> memref<102400xf32, #tpu.memory_space<hbm>>
      tpu.enqueue_dma source(%arg4 : memref<102400xf32, #tpu.memory_space<vmem>>) target(%dma_start3A_177 : memref<102400xf32, #tpu.memory_space<hbm>>) target_semaphore(%run_scoped3A : memref<!tpu.dma_semaphore, #tpu.memory_space<semaphore_mem>>)
      %dma_wait3A_178 = tpu.memref_slice %arg3[%add3A_105] : memref<52428800xf32, #tpu.memory_space<hbm>> -> memref<102400xf32, #tpu.memory_space<hbm>>
      %dma_wait3A_179 = tpu.memref_slice %arg3[%add3A_105] : memref<52428800xf32, #tpu.memory_space<hbm>> -> memref<102400xf32, #tpu.memory_space<hbm>>
      tpu.wait_dma2 semaphore(%run_scoped3A : memref<!tpu.dma_semaphore, #tpu.memory_space<semaphore_mem>>) src(%arg4 : memref<102400xf32, #tpu.memory_space<vmem>>) dst(%dma_wait3A_179 : memref<102400xf32, #tpu.memory_space<hbm>>)
      tpu.yield
    }) : () -> ()
    %add3A_106 = arith.constant 6 : i32
    %add3A_107 = arith.addi %add3A_106, %add3A : i32
    %rem3A_108 = arith.constant 16 : i32
    %rem3A_109 = arith.remsi %add3A_107, %rem3A_108 : i32
    %mul3A_110 = arith.constant 102400 : i32
    %mul3A_111 = arith.muli %rem3A_109, %mul3A_110 : i32
    %add3A_112 = arith.addi %mul3A_2, %mul3A_111 : i32
    "tpu.region"() ({
      %run_scoped3A = tpu.sem_alloc : memref<!tpu.dma_semaphore, #tpu.memory_space<semaphore_mem>>
      %dma_start3A_176 = tpu.memref_slice %arg3[%add3A_112] : memref<52428800xf32, #tpu.memory_space<hbm>> -> memref<102400xf32, #tpu.memory_space<hbm>>
      %dma_start3A_177 = tpu.memref_slice %arg3[%add3A_112] : memref<52428800xf32, #tpu.memory_space<hbm>> -> memref<102400xf32, #tpu.memory_space<hbm>>
      tpu.enqueue_dma source(%arg4 : memref<102400xf32, #tpu.memory_space<vmem>>) target(%dma_start3A_177 : memref<102400xf32, #tpu.memory_space<hbm>>) target_semaphore(%run_scoped3A : memref<!tpu.dma_semaphore, #tpu.memory_space<semaphore_mem>>)
      %dma_wait3A_178 = tpu.memref_slice %arg3[%add3A_112] : memref<52428800xf32, #tpu.memory_space<hbm>> -> memref<102400xf32, #tpu.memory_space<hbm>>
      %dma_wait3A_179 = tpu.memref_slice %arg3[%add3A_112] : memref<52428800xf32, #tpu.memory_space<hbm>> -> memref<102400xf32, #tpu.memory_space<hbm>>
      tpu.wait_dma2 semaphore(%run_scoped3A : memref<!tpu.dma_semaphore, #tpu.memory_space<semaphore_mem>>) src(%arg4 : memref<102400xf32, #tpu.memory_space<vmem>>) dst(%dma_wait3A_179 : memref<102400xf32, #tpu.memory_space<hbm>>)
      tpu.yield
    }) : () -> ()
    %add3A_113 = arith.constant 7 : i32
    %add3A_114 = arith.addi %add3A_113, %add3A : i32
    %rem3A_115 = arith.constant 16 : i32
    %rem3A_116 = arith.remsi %add3A_114, %rem3A_115 : i32
    %mul3A_117 = arith.constant 102400 : i32
    %mul3A_118 = arith.muli %rem3A_116, %mul3A_117 : i32
    %add3A_119 = arith.addi %mul3A_2, %mul3A_118 : i32
    "tpu.region"() ({
      %run_scoped3A = tpu.sem_alloc : memref<!tpu.dma_semaphore, #tpu.memory_space<semaphore_mem>>
      %dma_start3A_176 = tpu.memref_slice %arg3[%add3A_119] : memref<52428800xf32, #tpu.memory_space<hbm>> -> memref<102400xf32, #tpu.memory_space<hbm>>
      %dma_start3A_177 = tpu.memref_slice %arg3[%add3A_119] : memref<52428800xf32, #tpu.memory_space<hbm>> -> memref<102400xf32, #tpu.memory_space<hbm>>
      tpu.enqueue_dma source(%arg4 : memref<102400xf32, #tpu.memory_space<vmem>>) target(%dma_start3A_177 : memref<102400xf32, #tpu.memory_space<hbm>>) target_semaphore(%run_scoped3A : memref<!tpu.dma_semaphore, #tpu.memory_space<semaphore_mem>>)
      %dma_wait3A_178 = tpu.memref_slice %arg3[%add3A_119] : memref<52428800xf32, #tpu.memory_space<hbm>> -> memref<102400xf32, #tpu.memory_space<hbm>>
      %dma_wait3A_179 = tpu.memref_slice %arg3[%add3A_119] : memref<52428800xf32, #tpu.memory_space<hbm>> -> memref<102400xf32, #tpu.memory_space<hbm>>
      tpu.wait_dma2 semaphore(%run_scoped3A : memref<!tpu.dma_semaphore, #tpu.memory_space<semaphore_mem>>) src(%arg4 : memref<102400xf32, #tpu.memory_space<vmem>>) dst(%dma_wait3A_179 : memref<102400xf32, #tpu.memory_space<hbm>>)
      tpu.yield
    }) : () -> ()
    %add3A_120 = arith.constant 8 : i32
    %add3A_121 = arith.addi %add3A_120, %add3A : i32
    %rem3A_122 = arith.constant 16 : i32
    %rem3A_123 = arith.remsi %add3A_121, %rem3A_122 : i32
    %mul3A_124 = arith.constant 102400 : i32
    %mul3A_125 = arith.muli %rem3A_123, %mul3A_124 : i32
    %add3A_126 = arith.addi %mul3A_2, %mul3A_125 : i32
    "tpu.region"() ({
      %run_scoped3A = tpu.sem_alloc : memref<!tpu.dma_semaphore, #tpu.memory_space<semaphore_mem>>
      %dma_start3A_176 = tpu.memref_slice %arg3[%add3A_126] : memref<52428800xf32, #tpu.memory_space<hbm>> -> memref<102400xf32, #tpu.memory_space<hbm>>
      %dma_start3A_177 = tpu.memref_slice %arg3[%add3A_126] : memref<52428800xf32, #tpu.memory_space<hbm>> -> memref<102400xf32, #tpu.memory_space<hbm>>
      tpu.enqueue_dma source(%arg4 : memref<102400xf32, #tpu.memory_space<vmem>>) target(%dma_start3A_177 : memref<102400xf32, #tpu.memory_space<hbm>>) target_semaphore(%run_scoped3A : memref<!tpu.dma_semaphore, #tpu.memory_space<semaphore_mem>>)
      %dma_wait3A_178 = tpu.memref_slice %arg3[%add3A_126] : memref<52428800xf32, #tpu.memory_space<hbm>> -> memref<102400xf32, #tpu.memory_space<hbm>>
      %dma_wait3A_179 = tpu.memref_slice %arg3[%add3A_126] : memref<52428800xf32, #tpu.memory_space<hbm>> -> memref<102400xf32, #tpu.memory_space<hbm>>
      tpu.wait_dma2 semaphore(%run_scoped3A : memref<!tpu.dma_semaphore, #tpu.memory_space<semaphore_mem>>) src(%arg4 : memref<102400xf32, #tpu.memory_space<vmem>>) dst(%dma_wait3A_179 : memref<102400xf32, #tpu.memory_space<hbm>>)
      tpu.yield
    }) : () -> ()
    %add3A_127 = arith.constant 9 : i32
    %add3A_128 = arith.addi %add3A_127, %add3A : i32
    %rem3A_129 = arith.constant 16 : i32
    %rem3A_130 = arith.remsi %add3A_128, %rem3A_129 : i32
    %mul3A_131 = arith.constant 102400 : i32
    %mul3A_132 = arith.muli %rem3A_130, %mul3A_131 : i32
    %add3A_133 = arith.addi %mul3A_2, %mul3A_132 : i32
    "tpu.region"() ({
      %run_scoped3A = tpu.sem_alloc : memref<!tpu.dma_semaphore, #tpu.memory_space<semaphore_mem>>
      %dma_start3A_176 = tpu.memref_slice %arg3[%add3A_133] : memref<52428800xf32, #tpu.memory_space<hbm>> -> memref<102400xf32, #tpu.memory_space<hbm>>
      %dma_start3A_177 = tpu.memref_slice %arg3[%add3A_133] : memref<52428800xf32, #tpu.memory_space<hbm>> -> memref<102400xf32, #tpu.memory_space<hbm>>
      tpu.enqueue_dma source(%arg4 : memref<102400xf32, #tpu.memory_space<vmem>>) target(%dma_start3A_177 : memref<102400xf32, #tpu.memory_space<hbm>>) target_semaphore(%run_scoped3A : memref<!tpu.dma_semaphore, #tpu.memory_space<semaphore_mem>>)
      %dma_wait3A_178 = tpu.memref_slice %arg3[%add3A_133] : memref<52428800xf32, #tpu.memory_space<hbm>> -> memref<102400xf32, #tpu.memory_space<hbm>>
      %dma_wait3A_179 = tpu.memref_slice %arg3[%add3A_133] : memref<52428800xf32, #tpu.memory_space<hbm>> -> memref<102400xf32, #tpu.memory_space<hbm>>
      tpu.wait_dma2 semaphore(%run_scoped3A : memref<!tpu.dma_semaphore, #tpu.memory_space<semaphore_mem>>) src(%arg4 : memref<102400xf32, #tpu.memory_space<vmem>>) dst(%dma_wait3A_179 : memref<102400xf32, #tpu.memory_space<hbm>>)
      tpu.yield
    }) : () -> ()
    %add3A_134 = arith.constant 10 : i32
    %add3A_135 = arith.addi %add3A_134, %add3A : i32
    %rem3A_136 = arith.constant 16 : i32
    %rem3A_137 = arith.remsi %add3A_135, %rem3A_136 : i32
    %mul3A_138 = arith.constant 102400 : i32
    %mul3A_139 = arith.muli %rem3A_137, %mul3A_138 : i32
    %add3A_140 = arith.addi %mul3A_2, %mul3A_139 : i32
    "tpu.region"() ({
      %run_scoped3A = tpu.sem_alloc : memref<!tpu.dma_semaphore, #tpu.memory_space<semaphore_mem>>
      %dma_start3A_176 = tpu.memref_slice %arg3[%add3A_140] : memref<52428800xf32, #tpu.memory_space<hbm>> -> memref<102400xf32, #tpu.memory_space<hbm>>
      %dma_start3A_177 = tpu.memref_slice %arg3[%add3A_140] : memref<52428800xf32, #tpu.memory_space<hbm>> -> memref<102400xf32, #tpu.memory_space<hbm>>
      tpu.enqueue_dma source(%arg4 : memref<102400xf32, #tpu.memory_space<vmem>>) target(%dma_start3A_177 : memref<102400xf32, #tpu.memory_space<hbm>>) target_semaphore(%run_scoped3A : memref<!tpu.dma_semaphore, #tpu.memory_space<semaphore_mem>>)
      %dma_wait3A_178 = tpu.memref_slice %arg3[%add3A_140] : memref<52428800xf32, #tpu.memory_space<hbm>> -> memref<102400xf32, #tpu.memory_space<hbm>>
      %dma_wait3A_179 = tpu.memref_slice %arg3[%add3A_140] : memref<52428800xf32, #tpu.memory_space<hbm>> -> memref<102400xf32, #tpu.memory_space<hbm>>
      tpu.wait_dma2 semaphore(%run_scoped3A : memref<!tpu.dma_semaphore, #tpu.memory_space<semaphore_mem>>) src(%arg4 : memref<102400xf32, #tpu.memory_space<vmem>>) dst(%dma_wait3A_179 : memref<102400xf32, #tpu.memory_space<hbm>>)
      tpu.yield
    }) : () -> ()
    %add3A_141 = arith.constant 11 : i32
    %add3A_142 = arith.addi %add3A_141, %add3A : i32
    %rem3A_143 = arith.constant 16 : i32
    %rem3A_144 = arith.remsi %add3A_142, %rem3A_143 : i32
    %mul3A_145 = arith.constant 102400 : i32
    %mul3A_146 = arith.muli %rem3A_144, %mul3A_145 : i32
    %add3A_147 = arith.addi %mul3A_2, %mul3A_146 : i32
    "tpu.region"() ({
      %run_scoped3A = tpu.sem_alloc : memref<!tpu.dma_semaphore, #tpu.memory_space<semaphore_mem>>
      %dma_start3A_176 = tpu.memref_slice %arg3[%add3A_147] : memref<52428800xf32, #tpu.memory_space<hbm>> -> memref<102400xf32, #tpu.memory_space<hbm>>
      %dma_start3A_177 = tpu.memref_slice %arg3[%add3A_147] : memref<52428800xf32, #tpu.memory_space<hbm>> -> memref<102400xf32, #tpu.memory_space<hbm>>
      tpu.enqueue_dma source(%arg4 : memref<102400xf32, #tpu.memory_space<vmem>>) target(%dma_start3A_177 : memref<102400xf32, #tpu.memory_space<hbm>>) target_semaphore(%run_scoped3A : memref<!tpu.dma_semaphore, #tpu.memory_space<semaphore_mem>>)
      %dma_wait3A_178 = tpu.memref_slice %arg3[%add3A_147] : memref<52428800xf32, #tpu.memory_space<hbm>> -> memref<102400xf32, #tpu.memory_space<hbm>>
      %dma_wait3A_179 = tpu.memref_slice %arg3[%add3A_147] : memref<52428800xf32, #tpu.memory_space<hbm>> -> memref<102400xf32, #tpu.memory_space<hbm>>
      tpu.wait_dma2 semaphore(%run_scoped3A : memref<!tpu.dma_semaphore, #tpu.memory_space<semaphore_mem>>) src(%arg4 : memref<102400xf32, #tpu.memory_space<vmem>>) dst(%dma_wait3A_179 : memref<102400xf32, #tpu.memory_space<hbm>>)
      tpu.yield
    }) : () -> ()
    %add3A_148 = arith.constant 12 : i32
    %add3A_149 = arith.addi %add3A_148, %add3A : i32
    %rem3A_150 = arith.constant 16 : i32
    %rem3A_151 = arith.remsi %add3A_149, %rem3A_150 : i32
    %mul3A_152 = arith.constant 102400 : i32
    %mul3A_153 = arith.muli %rem3A_151, %mul3A_152 : i32
    %add3A_154 = arith.addi %mul3A_2, %mul3A_153 : i32
    "tpu.region"() ({
      %run_scoped3A = tpu.sem_alloc : memref<!tpu.dma_semaphore, #tpu.memory_space<semaphore_mem>>
      %dma_start3A_176 = tpu.memref_slice %arg3[%add3A_154] : memref<52428800xf32, #tpu.memory_space<hbm>> -> memref<102400xf32, #tpu.memory_space<hbm>>
      %dma_start3A_177 = tpu.memref_slice %arg3[%add3A_154] : memref<52428800xf32, #tpu.memory_space<hbm>> -> memref<102400xf32, #tpu.memory_space<hbm>>
      tpu.enqueue_dma source(%arg4 : memref<102400xf32, #tpu.memory_space<vmem>>) target(%dma_start3A_177 : memref<102400xf32, #tpu.memory_space<hbm>>) target_semaphore(%run_scoped3A : memref<!tpu.dma_semaphore, #tpu.memory_space<semaphore_mem>>)
      %dma_wait3A_178 = tpu.memref_slice %arg3[%add3A_154] : memref<52428800xf32, #tpu.memory_space<hbm>> -> memref<102400xf32, #tpu.memory_space<hbm>>
      %dma_wait3A_179 = tpu.memref_slice %arg3[%add3A_154] : memref<52428800xf32, #tpu.memory_space<hbm>> -> memref<102400xf32, #tpu.memory_space<hbm>>
      tpu.wait_dma2 semaphore(%run_scoped3A : memref<!tpu.dma_semaphore, #tpu.memory_space<semaphore_mem>>) src(%arg4 : memref<102400xf32, #tpu.memory_space<vmem>>) dst(%dma_wait3A_179 : memref<102400xf32, #tpu.memory_space<hbm>>)
      tpu.yield
    }) : () -> ()
    %add3A_155 = arith.constant 13 : i32
    %add3A_156 = arith.addi %add3A_155, %add3A : i32
    %rem3A_157 = arith.constant 16 : i32
    %rem3A_158 = arith.remsi %add3A_156, %rem3A_157 : i32
    %mul3A_159 = arith.constant 102400 : i32
    %mul3A_160 = arith.muli %rem3A_158, %mul3A_159 : i32
    %add3A_161 = arith.addi %mul3A_2, %mul3A_160 : i32
    "tpu.region"() ({
      %run_scoped3A = tpu.sem_alloc : memref<!tpu.dma_semaphore, #tpu.memory_space<semaphore_mem>>
      %dma_start3A_176 = tpu.memref_slice %arg3[%add3A_161] : memref<52428800xf32, #tpu.memory_space<hbm>> -> memref<102400xf32, #tpu.memory_space<hbm>>
      %dma_start3A_177 = tpu.memref_slice %arg3[%add3A_161] : memref<52428800xf32, #tpu.memory_space<hbm>> -> memref<102400xf32, #tpu.memory_space<hbm>>
      tpu.enqueue_dma source(%arg4 : memref<102400xf32, #tpu.memory_space<vmem>>) target(%dma_start3A_177 : memref<102400xf32, #tpu.memory_space<hbm>>) target_semaphore(%run_scoped3A : memref<!tpu.dma_semaphore, #tpu.memory_space<semaphore_mem>>)
      %dma_wait3A_178 = tpu.memref_slice %arg3[%add3A_161] : memref<52428800xf32, #tpu.memory_space<hbm>> -> memref<102400xf32, #tpu.memory_space<hbm>>
      %dma_wait3A_179 = tpu.memref_slice %arg3[%add3A_161] : memref<52428800xf32, #tpu.memory_space<hbm>> -> memref<102400xf32, #tpu.memory_space<hbm>>
      tpu.wait_dma2 semaphore(%run_scoped3A : memref<!tpu.dma_semaphore, #tpu.memory_space<semaphore_mem>>) src(%arg4 : memref<102400xf32, #tpu.memory_space<vmem>>) dst(%dma_wait3A_179 : memref<102400xf32, #tpu.memory_space<hbm>>)
      tpu.yield
    }) : () -> ()
    %add3A_162 = arith.constant 14 : i32
    %add3A_163 = arith.addi %add3A_162, %add3A : i32
    %rem3A_164 = arith.constant 16 : i32
    %rem3A_165 = arith.remsi %add3A_163, %rem3A_164 : i32
    %mul3A_166 = arith.constant 102400 : i32
    %mul3A_167 = arith.muli %rem3A_165, %mul3A_166 : i32
    %add3A_168 = arith.addi %mul3A_2, %mul3A_167 : i32
    "tpu.region"() ({
      %run_scoped3A = tpu.sem_alloc : memref<!tpu.dma_semaphore, #tpu.memory_space<semaphore_mem>>
      %dma_start3A_176 = tpu.memref_slice %arg3[%add3A_168] : memref<52428800xf32, #tpu.memory_space<hbm>> -> memref<102400xf32, #tpu.memory_space<hbm>>
      %dma_start3A_177 = tpu.memref_slice %arg3[%add3A_168] : memref<52428800xf32, #tpu.memory_space<hbm>> -> memref<102400xf32, #tpu.memory_space<hbm>>
      tpu.enqueue_dma source(%arg4 : memref<102400xf32, #tpu.memory_space<vmem>>) target(%dma_start3A_177 : memref<102400xf32, #tpu.memory_space<hbm>>) target_semaphore(%run_scoped3A : memref<!tpu.dma_semaphore, #tpu.memory_space<semaphore_mem>>)
      %dma_wait3A_178 = tpu.memref_slice %arg3[%add3A_168] : memref<52428800xf32, #tpu.memory_space<hbm>> -> memref<102400xf32, #tpu.memory_space<hbm>>
      %dma_wait3A_179 = tpu.memref_slice %arg3[%add3A_168] : memref<52428800xf32, #tpu.memory_space<hbm>> -> memref<102400xf32, #tpu.memory_space<hbm>>
      tpu.wait_dma2 semaphore(%run_scoped3A : memref<!tpu.dma_semaphore, #tpu.memory_space<semaphore_mem>>) src(%arg4 : memref<102400xf32, #tpu.memory_space<vmem>>) dst(%dma_wait3A_179 : memref<102400xf32, #tpu.memory_space<hbm>>)
      tpu.yield
    }) : () -> ()
    %add3A_169 = arith.constant 15 : i32
    %add3A_170 = arith.addi %add3A_169, %add3A : i32
    %rem3A_171 = arith.constant 16 : i32
    %rem3A_172 = arith.remsi %add3A_170, %rem3A_171 : i32
    %mul3A_173 = arith.constant 102400 : i32
    %mul3A_174 = arith.muli %rem3A_172, %mul3A_173 : i32
    %add3A_175 = arith.addi %mul3A_2, %mul3A_174 : i32
    "tpu.region"() ({
      %run_scoped3A = tpu.sem_alloc : memref<!tpu.dma_semaphore, #tpu.memory_space<semaphore_mem>>
      %dma_start3A_176 = tpu.memref_slice %arg3[%add3A_175] : memref<52428800xf32, #tpu.memory_space<hbm>> -> memref<102400xf32, #tpu.memory_space<hbm>>
      %dma_start3A_177 = tpu.memref_slice %arg3[%add3A_175] : memref<52428800xf32, #tpu.memory_space<hbm>> -> memref<102400xf32, #tpu.memory_space<hbm>>
      tpu.enqueue_dma source(%arg4 : memref<102400xf32, #tpu.memory_space<vmem>>) target(%dma_start3A_177 : memref<102400xf32, #tpu.memory_space<hbm>>) target_semaphore(%run_scoped3A : memref<!tpu.dma_semaphore, #tpu.memory_space<semaphore_mem>>)
      %dma_wait3A_178 = tpu.memref_slice %arg3[%add3A_175] : memref<52428800xf32, #tpu.memory_space<hbm>> -> memref<102400xf32, #tpu.memory_space<hbm>>
      %dma_wait3A_179 = tpu.memref_slice %arg3[%add3A_175] : memref<52428800xf32, #tpu.memory_space<hbm>> -> memref<102400xf32, #tpu.memory_space<hbm>>
      tpu.wait_dma2 semaphore(%run_scoped3A : memref<!tpu.dma_semaphore, #tpu.memory_space<semaphore_mem>>) src(%arg4 : memref<102400xf32, #tpu.memory_space<vmem>>) dst(%dma_wait3A_179 : memref<102400xf32, #tpu.memory_space<hbm>>)
      tpu.yield
    }) : () -> ()
    return
  }
}

</mosaic_0001>

<sc_bundles>
// kernel: kernel.3.cloned.1.call-start
scs
__scs_entry_jumppad:
0x0: {  	(pc) =	sbr.rel $0x88, $3  }
0x1: {  	(tag) =	ssettag $0x0;
	lr =	simm.s32 $0x1  }
0x2: {  	[smem:$0x3FA0] =	sst lr;
	_ =	strace $0xD0000000  }
0x3: {  	_ = 	snop  }
0x4: {  	_ = 	snop  }
0x5: {  	_ = 	snop  }
0x6: {  	_ = 	snop  }
0x7: {  	_ = 	snop  }
__scs_overlays_trampoline_lowered:
0x8: {  	[smem:$0x3FAF] =	sst s0  }
0x9: {  	[smem:$0x3FB0] =	sst s1  }
0xa: {  	[smem:$0x3FB1] =	sst s2  }
0xb: {  	[smem:$0x3FB2] =	sst s3  }
0xc: {  	[smem:$0x3FB3] =	sst s4  }
0xd: {  	[smem:$0x3FB4] =	sst s5  }
0xe: {  	[smem:$0x3FB5] =	sst s6  }
0xf: {  	[smem:$0x3FB6] =	sst s7  }
0x10: {  	[smem:$0x3FB7] =	sst s8  }
0x11: {  	[smem:$0x3FB8] =	sst s9;
	s0 =	simm.s32 @!p0 $0x0  }
0x12: {  	s1 =	sld [smem:$0x3F9E];
	s0 =	simm.s32 @p0 $0x1  }
0x13: {  	[smem:$0x3FB9] =	sst s0;
	s0 =	simm.s32 @!p1 $0x0  }
0x14: {  	s2 =	sld [smem:$0x3F9D];
	s0 =	simm.s32 @p1 $0x1  }
0x15: {  	[smem:$0x3FBA] =	sst s0;
	s0 =	simm.s32 @!p2 $0x0  }
0x16: {  	s3 =	sld [smem:$0x3FDB];
	s0 =	simm.s32 @p2 $0x1  }
0x17: {  	s4 =	simm.s32 $0x1BF5;
	[smem:$0x3FBC] =	sst s0  }
0x18: {  	s0 =	sld [smem:$0x3F9F];
	_ =	swait.ge [sflag:s4], $0x0  }
0x19: {  	s7 =	sld [smem:$0x3FA0]  }
0x1a: {  	s8 =	sadd.s32 $0xFFFFE003, lr  }
0x1b: {  	s9 =	sadd.s32 $0xFFFFFEF7, lr;
	s5 =	simm.s32 $0xFFFFFFFF;
	p2 =	slt.u32 s8, $0xFFFFF086  }
0x1c: {  	p1 =	slt.u32 s9, $0xF7A;
	s5 =	simm.s32 @!p2 $0x0  }
0x1d: {  	s5 =	simm.s32 @p1 $0x1;
	p0 =	seq.s32 s7, s2  }
0x1e: {  	s7 =	smul.u32 @!p0 $0xF7A, s2;
	p2 =	seq.s32 @!p0 s5, $0x0  }
0x1f: {  	s9 =	smul.u32 $0xF7A, s1;
	s8 =	simm.s32 @!p0 $0x1BF5;
	p2 =	por !p2, p0  }
0x20: {  	[sflag:s8] =	ssyncset.s32 @!p0 $0xFFFFF086;
	s6 =	sadd.s32 @!p0 s3, s7;
	s7 =	simm.s32 @!p0 $0x108  }
0x21: {  	s3 =	sadd.s32 s3, s9;
	s6 =	sadd.s32 @!p0 $0x88, s6;
	s7 =	simm.s32 @p2 $0x1082  }
0x22: {  	[simem:s7], [sflag:s8] =	dma.local @!p0 [hbm:s6], $0xF7A  }
0x23: {  	s9 =	sor.u32 $0xD0000000, s2;
	s6 =	simm.s32 $0x108;
	_ =	swait.ge @!p0 [sflag:s8], $0x0  }
0x24: {  	s3 =	sadd.s32 $0x88, s3;
	s6 =	simm.s32 @!p1 $0x1082;
	[sflag:s4] =	ssyncset.s32 $0xFFFFF086  }
0x25: {  	[simem:s6], [sflag:s4] =	dma.local [hbm:s3], $0xF7A  }
0x26: {  	[smem:$0x3FA0] =	sst s1;
	(tag) =	ssettag s2;
	_ =	strace s9  }
0x27: {  	s1 =	sld [smem:$0x3FB0]  }
0x28: {  	s2 =	sld [smem:$0x3FB1]  }
0x29: {  	s4 =	sld [smem:$0x3FB3]  }
0x2a: {  	p0 =	seq.s32 s5, $0x0;
	s5 =	sld [smem:$0x3FB4]  }
0x2b: {  	s6 =	sld [smem:$0x3FB5]  }
0x2c: {  	s7 =	sld [smem:$0x3FB6]  }
0x2d: {  	s3 =	simm.s32 $0x108;
	s8 =	sld [smem:$0x3FB7]  }
0x2e: {  	s3 =	simm.s32 @!p0 $0x1082;
	s9 =	sld [smem:$0x3FB8]  }
0x2f: {  	lr =	sadd.s32 s0, s3;
	s0 =	sld [smem:$0x3FAF]  }
0x30: {  	s3 =	sld [smem:$0x3FB2]  }
0x31: {  	[smem:$0x3FBB] =	sst s10  }
0x32: {  	s10 =	sld [smem:$0x3FB9];
	_ =	sdelay $0x3  }
0x33: {  	p0 =	seq.s32 s10, $0x1;
	s10 =	sld [smem:$0x3FBB];
	_ =	sdelay $0x3  }
0x34: {  	[smem:$0x3FBB] =	sst s10  }
0x35: {  	s10 =	sld [smem:$0x3FBA];
	_ =	sdelay $0x3  }
0x36: {  	p1 =	seq.s32 s10, $0x1;
	s10 =	sld [smem:$0x3FBB];
	_ =	sdelay $0x3  }
0x37: {  	[smem:$0x3FBB] =	sst s10  }
0x38: {  	s10 =	sld [smem:$0x3FBC]  }
0x39: {  	_ = 	snop;
	(pc) =	sbr.ind lr, $3  }
0x3a: {  	_ = 	snop  }
0x3b: {  	_ = 	snop  }
0x3c: {  	p2 =	seq.s32 s10, $0x1;
	s10 =	sld [smem:$0x3FBB]  }
0x3d: {  	_ =	shalt  }
0x3e: {  	_ =	shalt  }
0x3f: {  	_ =	shalt  }
0x40: {  	_ =	shalt  }
0x41: {  	_ =	shalt  }
0x42: {  	_ =	shalt  }
0x43: {  	_ =	shalt  }
0x44: {  	_ =	shalt  }
0x45: {  	_ =	shalt  }
0x46: {  	_ =	shalt  }
0x47: {  	_ =	shalt  }
0x48: {  	_ =	shalt  }
0x49: {  	_ =	shalt  }
0x4a: {  	_ =	shalt  }
0x4b: {  	_ =	shalt  }
0x4c: {  	_ =	shalt  }
0x4d: {  	_ =	shalt  }
0x4e: {  	_ =	shalt  }
0x4f: {  	_ =	shalt  }
0x50: {  	_ =	shalt  }
0x51: {  	_ =	shalt  }
0x52: {  	_ =	shalt  }
0x53: {  	_ =	shalt  }
0x54: {  	_ =	shalt  }
0x55: {  	_ =	shalt  }
0x56: {  	_ =	shalt  }
0x57: {  	_ =	shalt  }
0x58: {  	_ =	shalt  }
0x59: {  	_ =	shalt  }
0x5a: {  	_ =	shalt  }
0x5b: {  	_ =	shalt  }
0x5c: {  	_ =	shalt  }
0x5d: {  	_ =	shalt  }
0x5e: {  	_ =	shalt  }
0x5f: {  	_ =	shalt  }
0x60: {  	_ =	shalt  }
0x61: {  	_ =	shalt  }
0x62: {  	_ =	shalt  }
0x63: {  	_ =	shalt  }
0x64: {  	_ =	shalt  }
0x65: {  	_ =	shalt  }
0x66: {  	_ =	shalt  }
0x67: {  	_ =	shalt  }
0x68: {  	_ =	shalt  }
0x69: {  	_ =	shalt  }
0x6a: {  	_ =	shalt  }
0x6b: {  	_ =	shalt  }
0x6c: {  	_ =	shalt  }
0x6d: {  	_ =	shalt  }
0x6e: {  	_ =	shalt  }
0x6f: {  	_ =	shalt  }
0x70: {  	_ =	shalt  }
0x71: {  	_ =	shalt  }
0x72: {  	_ =	shalt  }
0x73: {  	_ =	shalt  }
0x74: {  	_ =	shalt  }
0x75: {  	_ =	shalt  }
0x76: {  	_ =	shalt  }
0x77: {  	_ =	shalt  }
0x78: {  	_ =	shalt  }
0x79: {  	_ =	shalt  }
0x7a: {  	_ =	shalt  }
0x7b: {  	_ =	shalt  }
0x7c: {  	_ =	shalt  }
0x7d: {  	_ =	shalt  }
0x7e: {  	_ =	shalt  }
0x7f: {  	_ =	shalt  }
0x80: {  	_ =	shalt  }
0x81: {  	_ =	shalt  }
0x82: {  	_ =	shalt  }
0x83: {  	_ =	shalt  }
0x84: {  	_ =	shalt  }
0x85: {  	_ =	shalt  }
0x86: {  	_ =	shalt  }
0x87: {  	_ =	shalt  }
.Lfunc_end0:
.L_simem_size_0:
called_computation.1_lowered:
.L_overlay_start_0:
0x88: {  	s2 =	sld [smem:$0x3FD9]  }
0x89: {  	s3 =	sld [smem:$0x3FFE];
	_ =	sdelay $0x1  }
0x8a: {  	s1 =	srdreg.scid  }
0x8b: {  	s0 =	sand.u32 $0x1, s1  }
0x8c: {  	s17 =	sshll.u32 s0, $0xA;
	s2 =	sadd.s32 s3, s2  }
0x8d: {  	s2 =	sadd.s32 s2, s17  }
0x8e: {  	[smem:$0x3FC7] =	sst s2  }
0x8f: {  	_ = 	snop  }
0x90: {  	s2 =	sld [smem:$0x3FD0];
	(tm) =	ssettm $0x1  }
0x91: {  	s18 =	sld [smem:$0x3FFB];
	_ =	sdelay $0x3  }
0x92: {  	_ =	strace s18  }
0x93: {  	s3 =	sld [smem:$0x3FFC];
	_ =	sdelay $0x3  }
0x94: {  	_ =	strace s3  }
0x95: {  	s3 =	sld [smem:$0x3FFD];
	_ =	sdelay $0x3  }
0x96: {  	_ =	strace s3  }
0x97: {  	_ =	strace $0x8FFFFFFF  }
0x98: {  	s19 =	sld [smem:$0x3FDB];
	_ =	sdelay $0x1  }
0x99: {  	s4 =	simm.s32 $_scs_section_size  }
0x9a: {  	s5 =	simm.s32 $_size__tile_overlayer_lowered;
	s6 =	simm.s32 $_tile_overlayer_lowered  }
0x9b: {  	s22 =	simm.s32 $0x1BFF;
	s21 =	sshll.u32 s6, $0x1;
	s3 =	sadd.s32 s4, s19  }
0x9c: {  	s7 =	simm.s32 $0x0;
	s20 =	sshll.u32 s5, $0x1;
	s5 =	sadd.s32 s21, s3  }
0x9d: {  	[timem:s7], [sflag:s22] =	dma.local [hbm:s5], s20  }
0x9e: {  	_ =	swait.ge [sflag:s22], s20  }
0x9f: {  	s4 =	ssub.s32 $0x0, s20;
	[sflag:s22] =	ssyncset.done $0x0  }
0xa0: {  	[sflag:s22] =	ssyncadd.s32 s4;
	_ =	sdelay $0x1  }
0xa1: {  	s23 =	simm.s32 $0x1B8B  }
0xa2: {  	_ =	swait.ge [sflag:s23], $0x1  }
0xa3: {  	[sflag:s23] =	ssyncset.done $0x0  }
0xa4: {  	s25 =	simm.s32 $0x1B8E;
	s24 =	sld [smem:$0x3FFE];
	[sflag:s23] =	ssyncadd.s32 $0xFFFFFFFF  }
0xa5: {  	s26 =	simm.s32 $execute0_lowered;
	[smem:$0x3FD2] =	sst s25  }
0xa6: {  	s5 =	sshll.u32 s26, $0x1;
	_ =	strace $0x80000046;
	[dreg:$0x1] =	wrdreg $0xFFFFFFFF  }
0xa7: {  	s28 =	simm.s32 $_size_execute0_lowered;
	s3 =	sadd.s32 s3, s5;
	[dreg:$0x0] =	wrdreg $0x0  }
0xa8: {  	s5 =	sshll.u32 s28, $0x1;
	[dreg:$0x2] =	wrdreg s3  }
0xa9: {  	[dreg:$0x3] =	wrdreg s5  }
0xaa: {  	[dreg:$0x4] =	wrdreg $0xC0  }
0xab: {  	_ =	task [dreg:s7], $0x5FFFF  }
0xac: {  	[dreg:$0x1] =	wrdreg $0xFFFFFFFF  }
0xad: {  	[dreg:$0x0] =	wrdreg $0x60  }
0xae: {  	[dreg:$0x2] =	wrdreg s24  }
0xaf: {  	[dreg:$0x3] =	wrdreg s2  }
0xb0: {  	[dreg:$0x4] =	wrdreg $0x9  }
0xb1: {  	_ =	task.clear_ibuf [dreg:s7], $0x5FFFF;
	_ =	strace $0x90000046  }
0xb2: {  	s29 =	simm.s32 $0x9;
	_ =	strace $0x80000048  }
0xb3: {  	_ =	swait.ge [sflag:s29], $0x1  }
0xb4: {  	[sflag:s29] =	ssyncadd.s32 $0xFFFFFFFF  }
0xb5: {  	_ =	strace $0x90000048  }
0xb6: {  	_ =	sfence  }
0xb7: {  	s30 =	sld [smem:$0x0];
	_ =	sdelay $0x2  }
0xb8: {  	s31 =	sshll.u32 s1, $0xD;
	s1 =	sshrl.u32 s1, $0x2  }
0xb9: {  	s3 =	sand.u32 $0x4000, s31;
	s1 =	sadd.s32 s1, s30  }
0xba: {  	s0 =	sor.u32 s3, s0;
	s1 =	sshll.u32 s1, $0x11  }
0xbb: {  	s0 =	sor.u32 s1, s0  }
0xbc: {  	s0 =	sadd.s32 $0x8F2B, s0  }
0xbd: {  	[sflag:s0] =	ssyncadd.remote.s32 $0x1  }
0xbe: {  	_ =	sfence.sel $0xFFFF  }
0xbf: {  	[dreg:$0x0] =	wrdreg $0xFFFFFFFF;
	(pc) =	sbr.abs _section_cstart, $3  }
0xc0: {  	[dreg:$0x1] =	wrdreg $0xFFFFFFFF  }
0xc1: {  	_ =	task.clear_ibuf [dreg:s7], $0x2FFFF;
	_ =	strace $0x9FFFFFFF  }
0xc2: {  	(tm) =	ssettm $0x7FFFFFFF  }
0xc3: {  	_ =	shalt  }
tec
execute0_lowered:
.L_overlay_start_1:
0x0: {  	(tag) =	ssettag $0x1  }
0x1: {  	s2 =	rddreg [dreg:$0x0];
	s1 =	simm.s32 $0x0  }
0x2: {  	[smem:$0x7FF] =	sst s1  }
0x3: {  	s29 =	rddreg [dreg:$0x1];
	s2 =	sadd.s32 $0x800, s2;
	_ =	strace $0x80000047  }
0x4: {  	[tilespmem:s1], [sflag:$0x1] =	stream.linear.gather [hbm4b:s2+s1], $0x3200, $0x38;
	[tilespmem:$0x19000] =	vst v63  }
0x5: {  	s3 =	simm.s32 $0x3200  }
0x6: {  	[tilespmem:s3], [sflag:$0x1] =	stream.linear.gather [hbm4b:s2+s1], $0x3200, $0x38;
	[tilespmem:$0x19000] =	vst v63  }
0x7: {  	s4 =	simm.s32 $0x6400  }
0x8: {  	[tilespmem:s4], [sflag:$0x1] =	stream.linear.gather [hbm4b:s2+s1], $0x3200, $0x38;
	[tilespmem:$0x19000] =	vst v63  }
0x9: {  	s5 =	simm.s32 $0x9600  }
0xa: {  	[tilespmem:s5], [sflag:$0x1] =	stream.linear.gather [hbm4b:s2+s1], $0x3200, $0x38;
	[tilespmem:$0x19000] =	vst v63  }
0xb: {  	s6 =	simm.s32 $0xC800  }
0xc: {  	[tilespmem:s6], [sflag:$0x1] =	stream.linear.gather [hbm4b:s2+s1], $0x3200, $0x38;
	[tilespmem:$0x19000] =	vst v63  }
0xd: {  	s7 =	simm.s32 $0xFA00  }
0xe: {  	[tilespmem:s7], [sflag:$0x1] =	stream.linear.gather [hbm4b:s2+s1], $0x3200, $0x38;
	[tilespmem:$0x19000] =	vst v63  }
0xf: {  	s8 =	simm.s32 $0x12C00  }
0x10: {  	[tilespmem:s8], [sflag:$0x1] =	stream.linear.gather [hbm4b:s2+s1], $0x3200, $0x38;
	[tilespmem:$0x19000] =	vst v63  }
0x11: {  	s9 =	simm.s32 $0x15E00;
	s10 =	simm.s32 $0x1  }
0x12: {  	[tilespmem:s9], [sflag:$0x1] =	stream.linear.gather [hbm4b:s2+s1], $0x3200, $0x38;
	[tilespmem:$0x19000] =	vst v63  }
0x13: {  	_ =	swait.ge [sflag:s10], $0x3200  }
0x14: {  	[sflag:s10] =	ssyncset.done $0x0  }
0x15: {  	[sflag:s10] =	ssyncadd.s32 $0xFFFFCE00  }
0x16: {  	_ =	swait.ge [sflag:s10], $0x3200  }
0x17: {  	[sflag:s10] =	ssyncset.done $0x0  }
0x18: {  	[sflag:s10] =	ssyncadd.s32 $0xFFFFCE00  }
0x19: {  	_ =	swait.ge [sflag:s10], $0x3200  }
0x1a: {  	[sflag:s10] =	ssyncset.done $0x0  }
0x1b: {  	[sflag:s10] =	ssyncadd.s32 $0xFFFFCE00  }
0x1c: {  	_ =	swait.ge [sflag:s10], $0x3200  }
0x1d: {  	[sflag:s10] =	ssyncset.done $0x0  }
0x1e: {  	[sflag:s10] =	ssyncadd.s32 $0xFFFFCE00  }
0x1f: {  	_ =	swait.ge [sflag:s10], $0x3200  }
0x20: {  	s12 =	srdreg.scid;
	s0 =	stileid.u32;
	[sflag:s10] =	ssyncset.done $0x0  }
0x21: {  	s20 =	sand.u32 $0x1, s12;
	s24 =	sshll.u32 s0, $0x1;
	[sflag:s10] =	ssyncadd.s32 $0xFFFFCE00  }
0x22: {  	s28 =	sor.u32 s20, s24;
	_ =	swait.ge [sflag:s10], $0x3200  }
0x23: {  	s31 =	ssub.s32 $0x2, s20;
	s30 =	smul.u32 $0x190000, s28;
	[sflag:s10] =	ssyncset.done $0x0  }
0x24: {  	s21 =	sand.u32 $0xF, s28;
	s13 =	sadd.s32 $0x1, s28;
	[sflag:s10] =	ssyncadd.s32 $0xFFFFCE00  }
0x25: {  	s15 =	sadd.s32 $0x2, s28;
	s16 =	sadd.s32 $0x3, s28;
	_ =	swait.ge [sflag:s10], $0x3200  }
0x26: {  	s17 =	sadd.s32 $0x4, s28;
	s25 =	smul.u32 $0x19000, s21;
	[sflag:s10] =	ssyncset.done $0x0  }
0x27: {  	s18 =	sadd.s32 $0x5, s28;
	s19 =	sadd.s32 $0x6, s28;
	[sflag:s10] =	ssyncadd.s32 $0xFFFFCE00  }
0x28: {  	s13 =	sand.u32 $0xF, s13;
	s12 =	sadd.s32 s30, s25;
	_ =	swait.ge [sflag:s10], $0x3200  }
0x29: {  	s14 =	smul.u32 $0x19000, s13;
	s12 =	sshrl.u32 s12, $0x3;
	[sflag:s10] =	ssyncset.done $0x0  }
0x2a: {  	s13 =	simm.s32 $0x2;
	s12 =	sadd.s32 s29, s12;
	[sflag:s10] =	ssyncadd.s32 $0xFFFFCE00  }
0x2b: {  	[hbm4b:s12+s1] =	stream.linear.scatter [tilespmem:s1], [sflag:$0x2], $0x19000, $0x38;
	[tilespmem:$0x19000] =	vst v63  }
0x2c: {  	s22 =	sadd.s32 $0x7, s28;
	s14 =	sadd.s32 s30, s14;
	_ =	swait.ge [sflag:s13], $0x19000  }
0x2d: {  	s15 =	sand.u32 $0xF, s15;
	s14 =	sshrl.u32 s14, $0x3;
	[sflag:s13] =	ssyncset.done $0x0  }
0x2e: {  	s15 =	smul.u32 $0x19000, s15;
	s14 =	sadd.s32 s29, s14;
	[sflag:s13] =	ssyncadd.s32 $0xFFFE7000  }
0x2f: {  	[hbm4b:s14+s1] =	stream.linear.scatter [tilespmem:s1], [sflag:$0x2], $0x19000, $0x38;
	[tilespmem:$0x19000] =	vst v63  }
0x30: {  	s0 =	sadd.s32 $0x9, s28;
	s15 =	sadd.s32 s30, s15;
	_ =	swait.ge [sflag:s13], $0x19000  }
0x31: {  	s16 =	sand.u32 $0xF, s16;
	s15 =	sshrl.u32 s15, $0x3;
	[sflag:s13] =	ssyncset.done $0x0  }
0x32: {  	s16 =	smul.u32 $0x19000, s16;
	s15 =	sadd.s32 s29, s15;
	[sflag:s13] =	ssyncadd.s32 $0xFFFE7000  }
0x33: {  	[hbm4b:s15+s1] =	stream.linear.scatter [tilespmem:s1], [sflag:$0x2], $0x19000, $0x38;
	[tilespmem:$0x19000] =	vst v63  }
0x34: {  	s23 =	sadd.s32 $0xA, s28;
	s16 =	sadd.s32 s30, s16;
	_ =	swait.ge [sflag:s13], $0x19000  }
0x35: {  	s17 =	sand.u32 $0xF, s17;
	s16 =	sshrl.u32 s16, $0x3;
	[sflag:s13] =	ssyncset.done $0x0  }
0x36: {  	s17 =	smul.u32 $0x19000, s17;
	s16 =	sadd.s32 s29, s16;
	[sflag:s13] =	ssyncadd.s32 $0xFFFE7000  }
0x37: {  	[hbm4b:s16+s1] =	stream.linear.scatter [tilespmem:s1], [sflag:$0x2], $0x19000, $0x38;
	[tilespmem:$0x19000] =	vst v63  }
0x38: {  	s24 =	sadd.s32 $0xB, s28;
	s17 =	sadd.s32 s30, s17;
	_ =	swait.ge [sflag:s13], $0x19000  }
0x39: {  	s18 =	sand.u32 $0xF, s18;
	s17 =	sshrl.u32 s17, $0x3;
	[sflag:s13] =	ssyncset.done $0x0  }
0x3a: {  	s18 =	smul.u32 $0x19000, s18;
	s17 =	sadd.s32 s29, s17;
	[sflag:s13] =	ssyncadd.s32 $0xFFFE7000  }
0x3b: {  	[hbm4b:s17+s1] =	stream.linear.scatter [tilespmem:s1], [sflag:$0x2], $0x19000, $0x38;
	[tilespmem:$0x19000] =	vst v63  }
0x3c: {  	s11 =	sadd.s32 $0xE, s28;
	s18 =	sadd.s32 s30, s18;
	_ =	swait.ge [sflag:s13], $0x19000  }
0x3d: {  	s19 =	sand.u32 $0xF, s19;
	s18 =	sshrl.u32 s18, $0x3;
	[sflag:s13] =	ssyncset.done $0x0  }
0x3e: {  	s19 =	smul.u32 $0x19000, s19;
	s18 =	sadd.s32 s29, s18;
	[sflag:s13] =	ssyncadd.s32 $0xFFFE7000  }
0x3f: {  	[hbm4b:s18+s1] =	stream.linear.scatter [tilespmem:s1], [sflag:$0x2], $0x19000, $0x38;
	[tilespmem:$0x19000] =	vst v63  }
0x40: {  	s22 =	sand.u32 $0xF, s22;
	s19 =	sadd.s32 s30, s19;
	_ =	swait.ge [sflag:s13], $0x19000  }
0x41: {  	s21 =	sxor.u32 $0x8, s21;
	s19 =	sshrl.u32 s19, $0x3;
	[sflag:s13] =	ssyncset.done $0x0  }
0x42: {  	s22 =	smul.u32 $0x19000, s22;
	s19 =	sadd.s32 s29, s19;
	[sflag:s13] =	ssyncadd.s32 $0xFFFE7000  }
0x43: {  	[hbm4b:s19+s1] =	stream.linear.scatter [tilespmem:s1], [sflag:$0x2], $0x19000, $0x38;
	[tilespmem:$0x19000] =	vst v63  }
0x44: {  	s23 =	sand.u32 $0xF, s23;
	s26 =	sadd.s32 s30, s22;
	_ =	swait.ge [sflag:s13], $0x19000  }
0x45: {  	s24 =	sand.u32 $0xF, s24;
	s20 =	sshrl.u32 s26, $0x3;
	[sflag:s13] =	ssyncset.done $0x0  }
0x46: {  	s21 =	smul.u32 $0x19000, s21;
	s20 =	sadd.s32 s29, s20;
	[sflag:s13] =	ssyncadd.s32 $0xFFFE7000  }
0x47: {  	[hbm4b:s20+s1] =	stream.linear.scatter [tilespmem:s1], [sflag:$0x2], $0x19000, $0x38;
	[tilespmem:$0x19000] =	vst v63  }
0x48: {  	s23 =	smul.u32 $0x19000, s23;
	s21 =	sadd.s32 s30, s21;
	_ =	swait.ge [sflag:s13], $0x19000  }
0x49: {  	s22 =	sand.u32 $0xF, s0;
	s21 =	sshrl.u32 s21, $0x3;
	[sflag:s13] =	ssyncset.done $0x0  }
0x4a: {  	s22 =	smul.u32 $0x19000, s22;
	s21 =	sadd.s32 s29, s21;
	[sflag:s13] =	ssyncadd.s32 $0xFFFE7000  }
0x4b: {  	[hbm4b:s21+s1] =	stream.linear.scatter [tilespmem:s1], [sflag:$0x2], $0x19000, $0x38;
	[tilespmem:$0x19000] =	vst v63  }
0x4c: {  	s24 =	smul.u32 $0x19000, s24;
	s22 =	sadd.s32 s30, s22;
	_ =	swait.ge [sflag:s13], $0x19000  }
0x4d: {  	s25 =	sadd.s32 $0xC, s28;
	s22 =	sshrl.u32 s22, $0x3;
	[sflag:s13] =	ssyncset.done $0x0  }
0x4e: {  	s23 =	sadd.s32 s30, s23;
	s22 =	sadd.s32 s29, s22;
	[sflag:s13] =	ssyncadd.s32 $0xFFFE7000  }
0x4f: {  	[hbm4b:s22+s1] =	stream.linear.scatter [tilespmem:s1], [sflag:$0x2], $0x19000, $0x38;
	[tilespmem:$0x19000] =	vst v63  }
0x50: {  	s24 =	sadd.s32 s30, s24;
	s25 =	sand.u32 $0xF, s25;
	_ =	swait.ge [sflag:s13], $0x19000  }
0x51: {  	s0 =	sand.u32 $0xF, s11;
	s23 =	sshrl.u32 s23, $0x3;
	[sflag:s13] =	ssyncset.done $0x0  }
0x52: {  	s24 =	sshrl.u32 s24, $0x3;
	s23 =	sadd.s32 s29, s23;
	[sflag:s13] =	ssyncadd.s32 $0xFFFE7000  }
0x53: {  	[hbm4b:s23+s1] =	stream.linear.scatter [tilespmem:s1], [sflag:$0x2], $0x19000, $0x38;
	[tilespmem:$0x19000] =	vst v63  }
0x54: {  	s25 =	smul.u32 $0x19000, s25;
	s26 =	sadd.s32 $0xD, s28;
	_ =	swait.ge [sflag:s13], $0x19000  }
0x55: {  	s0 =	smul.u32 $0x19000, s0;
	s28 =	sadd.s32 $0xFFFFFFFF, s28;
	[sflag:s13] =	ssyncset.done $0x0  }
0x56: {  	s24 =	sadd.s32 s29, s24;
	s26 =	sand.u32 $0xF, s26;
	[sflag:s13] =	ssyncadd.s32 $0xFFFE7000  }
0x57: {  	[hbm4b:s24+s1] =	stream.linear.scatter [tilespmem:s1], [sflag:$0x2], $0x19000, $0x38;
	[tilespmem:$0x19000] =	vst v63  }
0x58: {  	s11 =	sand.u32 $0xF, s28;
	s25 =	sadd.s32 s30, s25;
	_ =	swait.ge [sflag:s13], $0x19000  }
0x59: {  	s26 =	smul.u32 $0x19000, s26;
	s25 =	sshrl.u32 s25, $0x3;
	[sflag:s13] =	ssyncset.done $0x0  }
0x5a: {  	s0 =	sadd.s32 s30, s0;
	s25 =	sadd.s32 s29, s25;
	[sflag:s13] =	ssyncadd.s32 $0xFFFE7000  }
0x5b: {  	[hbm4b:s25+s1] =	stream.linear.scatter [tilespmem:s1], [sflag:$0x2], $0x19000, $0x38;
	[tilespmem:$0x19000] =	vst v63  }
0x5c: {  	s11 =	smul.u32 $0x19000, s11;
	s26 =	sadd.s32 s30, s26;
	_ =	swait.ge [sflag:s13], $0x19000  }
0x5d: {  	s0 =	sshrl.u32 s0, $0x3;
	s26 =	sshrl.u32 s26, $0x3;
	[sflag:s13] =	ssyncset.done $0x0  }
0x5e: {  	s28 =	sadd.s32 s29, s0;
	s26 =	sadd.s32 s29, s26;
	[sflag:s13] =	ssyncadd.s32 $0xFFFE7000  }
0x5f: {  	[hbm4b:s26+s1] =	stream.linear.scatter [tilespmem:s1], [sflag:$0x2], $0x19000, $0x38;
	[tilespmem:$0x19000] =	vst v63  }
0x60: {  	s0 =	sadd.s32 s30, s11;
	s11 =	sshrl.u32 s31, $0x1;
	_ =	swait.ge [sflag:s13], $0x19000  }
0x61: {  	s11 =	ssub.s32 s31, s11;
	[sflag:s13] =	ssyncset.done $0x0  }
0x62: {  	s31 =	smax.u32 s11, $0x1;
	[sflag:s13] =	ssyncadd.s32 $0xFFFE7000  }
0x63: {  	[hbm4b:s28+s1] =	stream.linear.scatter [tilespmem:s1], [sflag:$0x2], $0x19000, $0x38;
	[tilespmem:$0x19000] =	vst v63  }
0x64: {  	p0 =	sne.s32 s31, $0x1;
	_ =	swait.ge [sflag:s13], $0x19000  }
.Ltmp0:
0x65: {  	s0 =	sshrl.u32 s0, $0x3;
	[sflag:s13] =	ssyncset.done $0x0;
	(pc) =	sbr.rel @!p0 .LBB2_2-.Ltmp0, $4  }
0x66: {  	s29 =	sadd.s32 s29, s0;
	[sflag:s13] =	ssyncadd.s32 $0xFFFE7000  }
0x67: {  	[hbm4b:s29+s1] =	stream.linear.scatter [tilespmem:s1], [sflag:$0x2], $0x19000, $0x38;
	[tilespmem:$0x19000] =	vst v63  }
0x68: {  	_ =	swait.ge [sflag:s13], $0x19000  }
0x69: {  	s30 =	sadd.s32 $0xFFFFFFFF, s31;
	[sflag:s13] =	ssyncset.done $0x0  }
.LBB2_1:
0x6a: {  	p0 =	sne.s32 s30, $0x1;
	s30 =	sadd.s32 $0xFFFFFFFF, s30;
	[sflag:s13] =	ssyncadd.s32 $0xFFFE7000  }
0x6b: {  	[tilespmem:s1], [sflag:$0x1] =	stream.linear.gather [hbm4b:s2+s1], $0x3200, $0x38;
	[tilespmem:$0x19000] =	vst v63  }
0x6c: {  	_ = 	snop  }
0x6d: {  	[tilespmem:s3], [sflag:$0x1] =	stream.linear.gather [hbm4b:s2+s1], $0x3200, $0x38;
	[tilespmem:$0x19000] =	vst v63  }
0x6e: {  	_ = 	snop  }
0x6f: {  	[tilespmem:s4], [sflag:$0x1] =	stream.linear.gather [hbm4b:s2+s1], $0x3200, $0x38;
	[tilespmem:$0x19000] =	vst v63  }
0x70: {  	_ = 	snop  }
0x71: {  	[tilespmem:s5], [sflag:$0x1] =	stream.linear.gather [hbm4b:s2+s1], $0x3200, $0x38;
	[tilespmem:$0x19000] =	vst v63  }
0x72: {  	_ = 	snop  }
0x73: {  	[tilespmem:s6], [sflag:$0x1] =	stream.linear.gather [hbm4b:s2+s1], $0x3200, $0x38;
	[tilespmem:$0x19000] =	vst v63  }
0x74: {  	_ = 	snop  }
0x75: {  	[tilespmem:s7], [sflag:$0x1] =	stream.linear.gather [hbm4b:s2+s1], $0x3200, $0x38;
	[tilespmem:$0x19000] =	vst v63  }
0x76: {  	_ = 	snop  }
0x77: {  	[tilespmem:s8], [sflag:$0x1] =	stream.linear.gather [hbm4b:s2+s1], $0x3200, $0x38;
	[tilespmem:$0x19000] =	vst v63  }
0x78: {  	_ = 	snop  }
0x79: {  	[tilespmem:s9], [sflag:$0x1] =	stream.linear.gather [hbm4b:s2+s1], $0x3200, $0x38;
	[tilespmem:$0x19000] =	vst v63  }
0x7a: {  	_ =	swait.ge [sflag:s10], $0x3200  }
0x7b: {  	[sflag:s10] =	ssyncset.done $0x0  }
0x7c: {  	[sflag:s10] =	ssyncadd.s32 $0xFFFFCE00  }
0x7d: {  	_ =	swait.ge [sflag:s10], $0x3200  }
0x7e: {  	[sflag:s10] =	ssyncset.done $0x0  }
0x7f: {  	[sflag:s10] =	ssyncadd.s32 $0xFFFFCE00  }
0x80: {  	_ =	swait.ge [sflag:s10], $0x3200  }
0x81: {  	[sflag:s10] =	ssyncset.done $0x0  }
0x82: {  	[sflag:s10] =	ssyncadd.s32 $0xFFFFCE00  }
0x83: {  	_ =	swait.ge [sflag:s10], $0x3200  }
0x84: {  	[sflag:s10] =	ssyncset.done $0x0  }
0x85: {  	[sflag:s10] =	ssyncadd.s32 $0xFFFFCE00  }
0x86: {  	_ =	swait.ge [sflag:s10], $0x3200  }
0x87: {  	[sflag:s10] =	ssyncset.done $0x0  }
0x88: {  	[sflag:s10] =	ssyncadd.s32 $0xFFFFCE00  }
0x89: {  	_ =	swait.ge [sflag:s10], $0x3200  }
0x8a: {  	[sflag:s10] =	ssyncset.done $0x0  }
0x8b: {  	[sflag:s10] =	ssyncadd.s32 $0xFFFFCE00  }
0x8c: {  	_ =	swait.ge [sflag:s10], $0x3200  }
0x8d: {  	[sflag:s10] =	ssyncset.done $0x0  }
0x8e: {  	[sflag:s10] =	ssyncadd.s32 $0xFFFFCE00  }
0x8f: {  	_ =	swait.ge [sflag:s10], $0x3200  }
0x90: {  	[sflag:s10] =	ssyncset.done $0x0  }
0x91: {  	[sflag:s10] =	ssyncadd.s32 $0xFFFFCE00  }
0x92: {  	[hbm4b:s12+s1] =	stream.linear.scatter [tilespmem:s1], [sflag:$0x2], $0x19000, $0x38;
	[tilespmem:$0x19000] =	vst v63  }
0x93: {  	_ =	swait.ge [sflag:s13], $0x19000  }
0x94: {  	[sflag:s13] =	ssyncset.done $0x0  }
0x95: {  	[sflag:s13] =	ssyncadd.s32 $0xFFFE7000  }
0x96: {  	[hbm4b:s14+s1] =	stream.linear.scatter [tilespmem:s1], [sflag:$0x2], $0x19000, $0x38;
	[tilespmem:$0x19000] =	vst v63  }
0x97: {  	_ =	swait.ge [sflag:s13], $0x19000  }
0x98: {  	[sflag:s13] =	ssyncset.done $0x0  }
0x99: {  	[sflag:s13] =	ssyncadd.s32 $0xFFFE7000  }
0x9a: {  	[hbm4b:s15+s1] =	stream.linear.scatter [tilespmem:s1], [sflag:$0x2], $0x19000, $0x38;
	[tilespmem:$0x19000] =	vst v63  }
0x9b: {  	_ =	swait.ge [sflag:s13], $0x19000  }
0x9c: {  	[sflag:s13] =	ssyncset.done $0x0  }
0x9d: {  	[sflag:s13] =	ssyncadd.s32 $0xFFFE7000  }
0x9e: {  	[hbm4b:s16+s1] =	stream.linear.scatter [tilespmem:s1], [sflag:$0x2], $0x19000, $0x38;
	[tilespmem:$0x19000] =	vst v63  }
0x9f: {  	_ =	swait.ge [sflag:s13], $0x19000  }
0xa0: {  	[sflag:s13] =	ssyncset.done $0x0  }
0xa1: {  	[sflag:s13] =	ssyncadd.s32 $0xFFFE7000  }
0xa2: {  	[hbm4b:s17+s1] =	stream.linear.scatter [tilespmem:s1], [sflag:$0x2], $0x19000, $0x38;
	[tilespmem:$0x19000] =	vst v63  }
0xa3: {  	_ =	swait.ge [sflag:s13], $0x19000  }
0xa4: {  	[sflag:s13] =	ssyncset.done $0x0  }
0xa5: {  	[sflag:s13] =	ssyncadd.s32 $0xFFFE7000  }
0xa6: {  	[hbm4b:s18+s1] =	stream.linear.scatter [tilespmem:s1], [sflag:$0x2], $0x19000, $0x38;
	[tilespmem:$0x19000] =	vst v63  }
0xa7: {  	_ =	swait.ge [sflag:s13], $0x19000  }
0xa8: {  	[sflag:s13] =	ssyncset.done $0x0  }
0xa9: {  	[sflag:s13] =	ssyncadd.s32 $0xFFFE7000  }
0xaa: {  	[hbm4b:s19+s1] =	stream.linear.scatter [tilespmem:s1], [sflag:$0x2], $0x19000, $0x38;
	[tilespmem:$0x19000] =	vst v63  }
0xab: {  	_ =	swait.ge [sflag:s13], $0x19000  }
0xac: {  	[sflag:s13] =	ssyncset.done $0x0  }
0xad: {  	[sflag:s13] =	ssyncadd.s32 $0xFFFE7000  }
0xae: {  	[hbm4b:s20+s1] =	stream.linear.scatter [tilespmem:s1], [sflag:$0x2], $0x19000, $0x38;
	[tilespmem:$0x19000] =	vst v63  }
0xaf: {  	_ =	swait.ge [sflag:s13], $0x19000  }
0xb0: {  	[sflag:s13] =	ssyncset.done $0x0  }
0xb1: {  	[sflag:s13] =	ssyncadd.s32 $0xFFFE7000  }
0xb2: {  	[hbm4b:s21+s1] =	stream.linear.scatter [tilespmem:s1], [sflag:$0x2], $0x19000, $0x38;
	[tilespmem:$0x19000] =	vst v63  }
0xb3: {  	_ =	swait.ge [sflag:s13], $0x19000  }
0xb4: {  	[sflag:s13] =	ssyncset.done $0x0  }
0xb5: {  	[sflag:s13] =	ssyncadd.s32 $0xFFFE7000  }
0xb6: {  	[hbm4b:s22+s1] =	stream.linear.scatter [tilespmem:s1], [sflag:$0x2], $0x19000, $0x38;
	[tilespmem:$0x19000] =	vst v63  }
0xb7: {  	_ =	swait.ge [sflag:s13], $0x19000  }
0xb8: {  	[sflag:s13] =	ssyncset.done $0x0  }
0xb9: {  	[sflag:s13] =	ssyncadd.s32 $0xFFFE7000  }
0xba: {  	[hbm4b:s23+s1] =	stream.linear.scatter [tilespmem:s1], [sflag:$0x2], $0x19000, $0x38;
	[tilespmem:$0x19000] =	vst v63  }
0xbb: {  	_ =	swait.ge [sflag:s13], $0x19000  }
0xbc: {  	[sflag:s13] =	ssyncset.done $0x0  }
0xbd: {  	[sflag:s13] =	ssyncadd.s32 $0xFFFE7000  }
0xbe: {  	[hbm4b:s24+s1] =	stream.linear.scatter [tilespmem:s1], [sflag:$0x2], $0x19000, $0x38;
	[tilespmem:$0x19000] =	vst v63  }
0xbf: {  	_ =	swait.ge [sflag:s13], $0x19000  }
0xc0: {  	[sflag:s13] =	ssyncset.done $0x0  }
0xc1: {  	[sflag:s13] =	ssyncadd.s32 $0xFFFE7000  }
0xc2: {  	[hbm4b:s25+s1] =	stream.linear.scatter [tilespmem:s1], [sflag:$0x2], $0x19000, $0x38;
	[tilespmem:$0x19000] =	vst v63  }
0xc3: {  	_ =	swait.ge [sflag:s13], $0x19000  }
0xc4: {  	[sflag:s13] =	ssyncset.done $0x0  }
0xc5: {  	[sflag:s13] =	ssyncadd.s32 $0xFFFE7000  }
0xc6: {  	[hbm4b:s26+s1] =	stream.linear.scatter [tilespmem:s1], [sflag:$0x2], $0x19000, $0x38;
	[tilespmem:$0x19000] =	vst v63  }
0xc7: {  	_ =	swait.ge [sflag:s13], $0x19000  }
0xc8: {  	[sflag:s13] =	ssyncset.done $0x0  }
0xc9: {  	[sflag:s13] =	ssyncadd.s32 $0xFFFE7000  }
0xca: {  	[hbm4b:s28+s1] =	stream.linear.scatter [tilespmem:s1], [sflag:$0x2], $0x19000, $0x38;
	[tilespmem:$0x19000] =	vst v63  }
0xcb: {  	_ =	swait.ge [sflag:s13], $0x19000  }
.Ltmp1:
0xcc: {  	[sflag:s13] =	ssyncset.done $0x0;
	(pc) =	sbr.rel @p0 .LBB2_1-.Ltmp1, $4  }
0xcd: {  	[sflag:s13] =	ssyncadd.s32 $0xFFFE7000  }
0xce: {  	[hbm4b:s29+s1] =	stream.linear.scatter [tilespmem:s1], [sflag:$0x2], $0x19000, $0x38;
	[tilespmem:$0x19000] =	vst v63  }
0xcf: {  	_ =	swait.ge [sflag:s13], $0x19000  }
0xd0: {  	[sflag:s13] =	ssyncset.done $0x0  }
.LBB2_2:
0xd1: {  	[sflag:s13] =	ssyncadd.s32 $0xFFFE7000  }
0xd2: {  	_ =	sfence.sel $0x180000  }
0xd3: {  	[bflag:$0x0] =	sbarrier.arrive $0xFFFF  }
0xd4: {  	_ =	strace $0x90000047  }
0xd5: {  	s0 =	stileid.u32;
	[bflag:$0x2] =	sbarrier.arrive $0xFFFF  }
0xd6: {  	p0 =	sne.s32 s0, $0x0;
	s0 =	rddreg [dreg:$0x2]  }
0xd7: {  	s0 =	sadd.s32 @!p0 $0x100000, s0  }
0xd8: {  	[sflag:s0] =	ssyncadd.tile.s32 @!p0 $0x1;
	_ =	shalt  }
.Lfunc_end2:
_tile_overlayer_lowered:
.L_overlay_start_2:
0xd9: {  	(tag) =	ssettag $0x2  }
0xda: {  	s0 =	rddreg [dreg:$0x0];
	s2 =	stileid.u32  }
0xdb: {  	s1 =	rddreg [dreg:$0x1];
	p0 =	sne.s32 s2, $0x0  }
0xdc: {  	s3 =	rddreg [dreg:$0x2];
	[bflag:$0x3] =	sbarrier.arrive $0xFFFF;
	s2 =	simm.s32 @!p0 $0x1C02  }
0xdd: {  	[timem:s3], [sflag:s2] =	dma.local @!p0 [hbm:s0], s1  }
0xde: {  	s0 =	simm.s32 @!p0 $0x2  }
0xdf: {  	_ =	swait.ge @!p0 [sflag:s0], s1  }
0xe0: {  	s1 =	ssub.s32 @!p0 $0x0, s1;
	[sflag:s0] =	ssyncset.done @!p0 $0x0  }
0xe1: {  	[sflag:s0] =	ssyncadd.s32 @!p0 s1  }
0xe2: {  	[bflag:$0x3] =	sbarrier.arrive $0xFFFF  }
0xe3: {  	_ =	shalt  }

// kernel: sparse-core-data-format-call.cloned.1.call-start
scs
called_computation_lowered:
.L_overlay_start_0:
0x0: {  	s2 =	sld [smem:$0x3FD9]  }
0x1: {  	s3 =	sld [smem:$0x3FFE];
	_ =	sdelay $0x1  }
0x2: {  	s1 =	srdreg.scid  }
0x3: {  	s0 =	sand.u32 $0x1, s1  }
0x4: {  	s18 =	sshll.u32 s0, $0xA;
	s2 =	sadd.s32 s3, s2  }
0x5: {  	s2 =	sadd.s32 s2, s18  }
0x6: {  	[smem:$0x3FC7] =	sst s2  }
0x7: {  	_ = 	snop  }
0x8: {  	s2 =	sld [smem:$0x3FD0];
	(tm) =	ssettm $0x1  }
0x9: {  	s19 =	sld [smem:$0x3FFB];
	_ =	sdelay $0x3  }
0xa: {  	_ =	strace s19  }
0xb: {  	s3 =	sld [smem:$0x3FFC];
	_ =	sdelay $0x3  }
0xc: {  	_ =	strace s3  }
0xd: {  	s3 =	sld [smem:$0x3FFD];
	_ =	sdelay $0x3  }
0xe: {  	_ =	strace s3  }
0xf: {  	_ =	strace $0x8FFFFFFF  }
0x10: {  	s20 =	sld [smem:$0x3FDB];
	_ =	sdelay $0x1  }
0x11: {  	s4 =	simm.s32 $_scs_section_size  }
0x12: {  	s5 =	simm.s32 $_size__tile_overlayer_lowered;
	s6 =	simm.s32 $_tile_overlayer_lowered  }
0x13: {  	s23 =	simm.s32 $0x1BFF;
	s22 =	sshll.u32 s6, $0x1;
	s3 =	sadd.s32 s4, s20  }
0x14: {  	s7 =	simm.s32 $0x0;
	s21 =	sshll.u32 s5, $0x1;
	s5 =	sadd.s32 s22, s3  }
0x15: {  	[timem:s7], [sflag:s23] =	dma.local [hbm:s5], s21  }
0x16: {  	_ =	swait.ge [sflag:s23], s21  }
0x17: {  	s4 =	ssub.s32 $0x0, s21;
	[sflag:s23] =	ssyncset.done $0x0  }
0x18: {  	[sflag:s23] =	ssyncadd.s32 s4;
	_ =	sdelay $0x1  }
0x19: {  	s24 =	simm.s32 $0x1B8B  }
0x1a: {  	_ =	swait.ge [sflag:s24], $0x1  }
0x1b: {  	[sflag:s24] =	ssyncset.done $0x0  }
0x1c: {  	s26 =	simm.s32 $0x1B8E;
	s25 =	sld [smem:$0x3FFE];
	[sflag:s24] =	ssyncadd.s32 $0xFFFFFFFF  }
0x1d: {  	s27 =	simm.s32 $execute0_lowered;
	[smem:$0x3FD2] =	sst s26  }
0x1e: {  	s5 =	sshll.u32 s27, $0x1;
	_ =	strace $0x80000049;
	[dreg:$0x1] =	wrdreg $0xFFFFFFFF  }
0x1f: {  	s28 =	simm.s32 $_size_execute0_lowered;
	s3 =	sadd.s32 s3, s5;
	[dreg:$0x0] =	wrdreg $0x0  }
0x20: {  	s5 =	sshll.u32 s28, $0x1;
	[dreg:$0x2] =	wrdreg s3  }
0x21: {  	[dreg:$0x3] =	wrdreg s5  }
0x22: {  	[dreg:$0x4] =	wrdreg $0xC0  }
0x23: {  	_ =	task [dreg:s7], $0x5FFFF  }
0x24: {  	[dreg:$0x1] =	wrdreg $0xFFFFFFFF  }
0x25: {  	[dreg:$0x0] =	wrdreg $0x60  }
0x26: {  	[dreg:$0x2] =	wrdreg s25  }
0x27: {  	[dreg:$0x3] =	wrdreg s2  }
0x28: {  	[dreg:$0x4] =	wrdreg $0x9  }
0x29: {  	_ =	task.clear_ibuf [dreg:s7], $0x5FFFF;
	_ =	strace $0x90000049  }
0x2a: {  	s29 =	simm.s32 $0x9;
	_ =	strace $0x8000004B  }
0x2b: {  	_ =	swait.ge [sflag:s29], $0x1  }
0x2c: {  	[sflag:s29] =	ssyncadd.s32 $0xFFFFFFFF  }
0x2d: {  	_ =	strace $0x9000004B  }
0x2e: {  	_ =	sfence  }
0x2f: {  	s30 =	sld [smem:$0x0];
	_ =	sdelay $0x2  }
0x30: {  	s31 =	sshll.u32 s1, $0xD;
	s1 =	sshrl.u32 s1, $0x2  }
0x31: {  	s3 =	sand.u32 $0x4000, s31;
	s1 =	sadd.s32 s1, s30  }
0x32: {  	s0 =	sor.u32 s3, s0;
	s1 =	sshll.u32 s1, $0x11  }
0x33: {  	s0 =	sor.u32 s1, s0  }
0x34: {  	s0 =	sadd.s32 $0x8F2B, s0  }
0x35: {  	[sflag:s0] =	ssyncadd.remote.s32 $0x1  }
0x36: {  	_ =	sfence.sel $0xFFFF  }
0x37: {  	[dreg:$0x0] =	wrdreg $0xFFFFFFFF;
	(pc) =	sbr.abs _section_cstart, $3  }
0x38: {  	[dreg:$0x1] =	wrdreg $0xFFFFFFFF  }
0x39: {  	_ =	task.clear_ibuf [dreg:s7], $0x2FFFF;
	_ =	strace $0x9FFFFFFF  }
0x3a: {  	(tm) =	ssettm $0x7FFFFFFF  }
0x3b: {  	_ =	shalt  }
tec
execute0_lowered:
.L_overlay_start_1:
0x0: {  	(tag) =	ssettag $0x1  }
0x1: {  	s0 =	srdreg.scid  }
0x2: {  	s1 =	sshll.u32 s0, $0x4  }
0x3: {  	s0 =	stileid.u32;
	s1 =	sand.u32 $0x10, s1  }
0x4: {  	s1 =	sor.u32 s0, s1  }
0x5: {  	s6 =	rddreg [dreg:$0x0];
	s4 =	simm.s32 $0x1;
	s2 =	sshll.u32 s1, $0x7  }
0x6: {  	s7 =	simm.s32 $0x2;
	s12 =	simm.s32 $0x0;
	s1 =	ssub.s32 $0x1000, s2  }
0x7: {  	s8 =	simm.s32 $0x8000;
	s13 =	simm.s32 $0x0;
	s3 =	sand.u32 $0xF80, s1  }
0x8: {  	s9 =	simm.s32 $0x0;
	s5 =	sshrl.u32 s1, $0xC;
	p0 =	sne.s32 s3, $0x0  }
.Ltmp0:
0x9: {  	s1 =	rddreg [dreg:$0x2];
	s4 =	simm.s32 @!p0 $0x0;
	(pc) =	sbr.rel .LBB1_1-.Ltmp0, $4  }
0xa: {  	s11 =	simm.s32 $0x0;
	s3 =	rddreg [dreg:$0x1];
	s5 =	sadd.s32 s4, s5  }
0xb: {  	_ =	strace $0x8000004A;
	s4 =	simm.s32 $0x1;
	s5 =	smul.u32 $0xC8, s5  }
0xc: {  	s6 =	sadd.s32 $0x800, s6;
	s10 =	smov.u32 s2;
	[sflag:s4] =	ssyncpa.u1 $0x0  }
0xd: {  	p0 =	por $0x0, $0x0;
	[sflag:s7] =	ssyncpa.u1 $0x0;
	s7 =	sor.u32 $0x1, s5  }
.LBB1_4:
0xe: {  	s16 =	sshll.u32 s13, $0x3;
	s17 =	sand.u32 $0x78, s13  }
0xf: {  	s30 =	sand.u32 $0x7E00, s13;
	s12 =	sshll.u32 s12, $0xF;
	s16 =	sand.u32 $0xC00, s16  }
0x10: {  	[tilespmem:s15+$0x810 ss:$0x81] =	vst.msk $0xffff, v2;
	s31 =	sand.u32 $0x7, s13;
	s16 =	sor.u32 s17, s16;
	s17 =	sadd.s32 s3, s30  }
0x11: {  	[tilespmem:s15+$0x1020 ss:$0x81] =	vst.msk $0xffff, v0;
	s13 =	sshll.u32 s31, $0x12;
	s12 =	sadd.s32 s12, s17;
	s16 =	sshrl.u32 s16, $0x3  }
0x12: {  	[tilespmem:s15+$0x0 ss:$0x81] =	vst.msk $0xffff, v1;
	s13 =	sor.u32 $0x400, s13;
	s12 =	sadd.s32 s16, s12  }
0x13: {  	[hbm4b:s12+s13] =	stream.strided.scatter [tilespmem:s14], [sflag:$0x2], $0x2000, s8, s13, $0x20;
	[tilespmem:$0x8080] =	vst v63  }
.LBB1_5:
0x14: {  	s14 =	sadd.s32 $0x1, s9  }
0x15: {  	s12 =	sadd.s32 $0x1000, s10;
	s16 =	smov.u32 s10;
	p2 =	sgt.s32 s14, $0xC7  }
0x16: {  	s16 =	smov.u32 @p2 s12  }
0x17: {  	s14 =	simm.s32 @p2 $0x0;
	p2 =	sgt.s32 s16, $0xFFF  }
0x18: {  	s16 =	smov.u32 @p2 s2;
	p2 =	sne.s32 s11, s7  }
.Ltmp1:
0x19: {  	p1 =	slt.u32 s11, $0x2;
	(pc) =	sbr.rel @!p2 .LBB1_6-.Ltmp1, $4  }
0x1a: {  	s15 =	simm.s32 @!p1 $0x2  }
0x1b: {  	s13 =	smov.u32 s10;
	p0 =	por !p0, !p0;
	_ =	swait.ge @!p1 [sflag:s15], $0x2000  }
0x1c: {  	s12 =	smov.u32 s9;
	[sflag:s15] =	ssyncset.done @!p1 $0x0;
	s9 =	smov.u32 s14  }
0x1d: {  	s11 =	sadd.s32 $0x1, s11;
	[sflag:s15] =	ssyncadd.s32 @!p1 $0xFFFFE000;
	s10 =	smov.u32 s16  }
.LBB1_1:
0x1e: {  	p1 =	sge.u32 s11, s5  }
0x1f: {  	s14 =	sand.u32 @!p1 $0x1FFFFFF, s9  }
0x20: {  	s15 =	smulhi.u32 @!p1 $0x147AE15, s14;
	_ =	sdelay $0x1  }
0x21: {  	s15 =	smul.u32 @!p1 $0xC8, s15  }
0x22: {  	s16 =	sxor.u32 @!p1 $0xFFFFFFFF, s11;
	s17 =	smul.u32 @!p1 $0xC80, s10  }
0x23: {  	s31 =	sadd.s32 $0xFFFFFFFF, s11;
	s16 =	sshll.u32 @!p1 s16, $0xD;
	s14 =	ssub.s32 @!p1 s14, s15  }
0x24: {  	s15 =	sand.u32 @!p1 $0x2000, s16;
	s16 =	sadd.s32 @!p1 s6, s17;
	s14 =	sshll.u32 @!p1 s14, $0x4  }
0x25: {  	s17 =	simm.s32 @!p1 $0x6400;
	s14 =	sadd.s32 @!p1 s14, s16;
	s16 =	simm.s32 @!p1 $0x40  }
0x26: {  	[tilespmem:s15], [sflag:$0x1] =	stream.strided.gather @!p1 [hbm4b:s14+s16], $0x2000, s17, s16, $0x38;
	[tilespmem:$0x8080] =	vst v63  }
0x27: {  	p1 =	sge.u32 s31, s5  }
.Ltmp2:
0x28: {  	_ = 	snop;
	(pc) =	sbr.rel @p1 .LBB1_5-.Ltmp2, $1  }
0x29: {  	_ =	sdelay $0x3  }
0x2a: {  	s14 =	simm.s32 $0x1  }
0x2b: {  	_ =	swait.ge [sflag:s4], $0x2000;
	s14 =	simm.s32 @!p0 $0x0  }
0x2c: {  	[sflag:s4] =	ssyncset.done $0x0;
	s15 =	sshll.u32 s14, $0xD  }
0x2d: {  	[sflag:s4] =	ssyncadd.s32 $0xFFFFE000;
	s18 =	sor.u32 $0x20, s15  }
0x2e: {  	s14 =	smul.u32 $0x8100, s14;
	v3 =	vld [tilespmem:s18+$0x10]  }
0x2f: {  	s30 =	sand.u32 $0x1, s11;
	v2 =	vld [tilespmem:s18+$0xFFFFFFF0]  }
0x30: {  	s15 =	smul.u32 $0x8100, s30;
	s14 =	sshrl.u32 s14, $0x2;
	v0 =	vld [tilespmem:s18+$0x0]  }
0x31: {  	v1 =	vld [tilespmem:s18+$0xFFFFFFE0];
	s16 =	sor.u32 $0x4000, s14  }
0x32: {  	s31 =	sshrl.u32 s15, $0x2;
	s15 =	sadd.s32 $0x0, s16  }
0x33: {  	s17 =	simm.s32 $0x4;
	s18 =	sadd.s32 $0x40, s18;
	s14 =	sor.u32 $0x4000, s31;
	[tilespmem:s15+$0x1830 ss:$0x81] =	vst.msk $0xffff, v3  }
.LBB1_3:
0x34: {  	v3 =	vld [tilespmem:s18+$0x10];
	p1 =	sne.s32 s17, $0x1FC;
	[tilespmem:s15+$0x810 ss:$0x81] =	vst.msk $0xffff, v2;
	s19 =	smov.u32 s17;
	s17 =	sadd.s32 $0x4, s17  }
.Ltmp3:
0x35: {  	v2 =	vld [tilespmem:s18+$0xFFFFFFF0];
	[tilespmem:s15+$0x1020 ss:$0x81] =	vst.msk $0xffff, v0;
	(pc) =	sbr.rel @p1 .LBB1_3-.Ltmp3, $4  }
0x36: {  	v0 =	vld [tilespmem:s18+$0x0];
	[tilespmem:s15+$0x0 ss:$0x81] =	vst.msk $0xffff, v1  }
0x37: {  	s15 =	sshra.s32 s19, $0x2;
	v1 =	vld [tilespmem:s18+$0xFFFFFFE0]  }
0x38: {  	s15 =	sadd.s32 s15, s16  }
0x39: {  	s18 =	sadd.s32 $0x40, s18;
	[tilespmem:s15+$0x1830 ss:$0x81] =	vst.msk $0xffff, v3  }
.Ltmp4:
0x3a: {  	_ = 	snop;
	(pc) =	sbr.rel .LBB1_4-.Ltmp4, $1  }
0x3b: {  	_ =	sdelay $0x3  }
.LBB1_6:
0x3c: {  	_ =	sfence.sel $0x180000  }
0x3d: {  	s2 =	simm.s32 $0x1;
	[bflag:$0x0] =	sbarrier.arrive $0xFFFF  }
0x3e: {  	s31 =	simm.s32 $0x2;
	[sflag:s2] =	ssyncpa.u1 $0x1  }
0x3f: {  	[sflag:s31] =	ssyncpa.u1 $0x1  }
0x40: {  	p0 =	sne.s32 s0, $0x0;
	_ =	strace $0x9000004A  }
0x41: {  	s0 =	sadd.s32 @!p0 $0x100000, s1;
	[bflag:$0x2] =	sbarrier.arrive $0xFFFF  }
0x42: {  	[sflag:s0] =	ssyncadd.tile.s32 @!p0 $0x1;
	_ =	shalt  }
.Lfunc_end1:
_tile_overlayer_lowered:
.L_overlay_start_2:
0x43: {  	(tag) =	ssettag $0x2  }
0x44: {  	s0 =	rddreg [dreg:$0x0];
	s2 =	stileid.u32  }
0x45: {  	s1 =	rddreg [dreg:$0x1];
	p0 =	sne.s32 s2, $0x0  }
0x46: {  	s3 =	rddreg [dreg:$0x2];
	[bflag:$0x3] =	sbarrier.arrive $0xFFFF;
	s2 =	simm.s32 @!p0 $0x1C01  }
0x47: {  	[timem:s3], [sflag:s2] =	dma.local @!p0 [hbm:s0], s1  }
0x48: {  	s0 =	simm.s32 @!p0 $0x1  }
0x49: {  	_ =	swait.ge @!p0 [sflag:s0], s1  }
0x4a: {  	s1 =	ssub.s32 @!p0 $0x0, s1;
	[sflag:s0] =	ssyncset.done @!p0 $0x0  }
0x4b: {  	[sflag:s0] =	ssyncadd.s32 @!p0 s1  }
0x4c: {  	[bflag:$0x3] =	sbarrier.arrive $0xFFFF  }
0x4d: {  	_ =	shalt  }

</sc_bundles>
